<compile_context>
chip_gen: v7x
topology: tpu7x:2x2x1
jax: 0.10.2.dev20260603
libtpu: 0.0.44.dev20260713+nightly
codegen_flags: <defaults>
</compile_context>

<pallas_src>
import jax
import jax.numpy as jnp
from jax import lax
from jax.experimental import pallas as pl
from jax.experimental.pallas import tpu as pltpu
from jax.experimental.pallas import tpu_sc as plsc

_N_NODES = 100000
_N_EDGES = 1600000
_OUT_DIM = 16
_CUTOFF = 5.0
_GAMMA = 10.0

_NW = 32
_PER_W = _N_EDGES // _NW
_CHUNK = 2000
_N_CHUNKS = _PER_W // _CHUNK
_GROUPS = _CHUNK // 16

_TC_BLK = 8192


def _sq_kernel(px, py, pz, src, dst, out,
               ia0, ib0, ax0, ay0, az0, bx0, by0, bz0, nb0,
               ia1, ib1, ax1, ay1, az1, bx1, by1, bz1, nb1,
               gsem0, gsem1, osem0, osem1):
    IA = (ia0, ia1)
    IB = (ib0, ib1)
    CO = ((ax0, ay0, az0, bx0, by0, bz0), (ax1, ay1, az1, bx1, by1, bz1))
    NB = (nb0, nb1)
    GSEM = (gsem0, gsem1)
    OSEM = (osem0, osem1)
    PLN = (px, py, pz)

    wid = lax.axis_index("s") * 2 + lax.axis_index("c")
    w_base = wid * _PER_W

    def fire(b, c):
        base = w_base + c * _CHUNK
        pltpu.sync_copy(src.at[pl.ds(base, _CHUNK)], IA[b])
        pltpu.sync_copy(dst.at[pl.ds(base, _CHUNK)], IB[b])
        for k in range(3):
            pltpu.async_copy(PLN[k].at[IA[b]], CO[b][k], GSEM[b])
        for k in range(3):
            pltpu.async_copy(PLN[k].at[IB[b]], CO[b][3 + k], GSEM[b])

    def wait_gathers(b):
        for k in range(6):
            pltpu.make_async_copy(
                px.at[pl.ds(0, _CHUNK)], CO[b][k], GSEM[b]).wait()

    def wait_out(b):
        pltpu.make_async_copy(
            NB[b], out.at[pl.ds(0, _CHUNK)], OSEM[b]).wait()

    def compute(b):
        ax, ay, az, bx, by, bz = CO[b]
        nb_ref = NB[b]

        def group_body(g, carry2):
            rb = g * 16
            dx = ax[pl.ds(rb, 16)] - bx[pl.ds(rb, 16)]
            dy = ay[pl.ds(rb, 16)] - by[pl.ds(rb, 16)]
            dz = az[pl.ds(rb, 16)] - bz[pl.ds(rb, 16)]
            nb_ref[pl.ds(rb, 16)] = dx * dx + dy * dy + dz * dz
            return carry2

        lax.fori_loop(0, _GROUPS, group_body, 0, unroll=False)

    def fire_out(b, c):
        base = w_base + c * _CHUNK
        pltpu.async_copy(NB[b], out.at[pl.ds(base, _CHUNK)], OSEM[b])

    fire(0, 0)

    def chunk_body(c, carry):
        for b in range(2):
            @pl.when((c & 1) == b)
            def _bank():
                @pl.when(c + 1 < _N_CHUNKS)
                def _pf():
                    fire(1 - b, c + 1)
                wait_gathers(b)

                @pl.when(c >= 2)
                def _wo():
                    wait_out(b)
                compute(b)
                fire_out(b, c)
        return carry

    lax.fori_loop(0, _N_CHUNKS, chunk_body, 0, unroll=False)
    wait_out(1)
    wait_out(0)


_LANES = 128
_SQ_ROWS = _N_EDGES // _LANES
_TC_BLK = 128


def _rbf_kernel(sq_ref, out_ref):
    s = sq_ref[...]
    nz = s > 1e-12
    norm = jnp.where(nz, jnp.sqrt(jnp.where(nz, s, 1.0)), 0.0)
    n4 = jnp.broadcast_to(norm[None, :, None, :], (2, _TC_BLK, 8, _LANES))
    k4 = (lax.broadcasted_iota(jnp.int32, (2, _TC_BLK, 8, _LANES), 0) * 8
          + lax.broadcasted_iota(jnp.int32, (2, _TC_BLK, 8, _LANES), 2))
    offs = k4.astype(jnp.float32) * (_CUTOFF / (_OUT_DIM - 1))
    d = n4 - offs
    out_ref[...] = jnp.exp(d * d * (-_GAMMA))


@jax.jit
def kernel(pos, edge_index):
    px = pos[:, 0]
    py = pos[:, 1]
    pz = pos[:, 2]
    src = edge_index[0]
    dst = edge_index[1]
    mesh = plsc.VectorSubcoreMesh(core_axis_name="c", subcore_axis_name="s")
    coord = pltpu.VMEM((_CHUNK,), jnp.float32)
    idx = pltpu.VMEM((_CHUNK,), jnp.int32)
    nbuf = pltpu.VMEM((_CHUNK,), jnp.float32)
    sq_stage = pl.kernel(
        _sq_kernel,
        mesh=mesh,
        out_type=jax.ShapeDtypeStruct((_N_EDGES,), jnp.float32),
        scratch_types=[
            idx, idx, coord, coord, coord, coord, coord, coord, nbuf,
            idx, idx, coord, coord, coord, coord, coord, coord, nbuf,
            pltpu.SemaphoreType.DMA,
            pltpu.SemaphoreType.DMA,
            pltpu.SemaphoreType.DMA,
            pltpu.SemaphoreType.DMA,
        ],
    )
    sq = sq_stage(px, py, pz, src, dst)

    rbf = pl.pallas_call(
        _rbf_kernel,
        grid=(pl.cdiv(_SQ_ROWS, _TC_BLK),),
        in_specs=[pl.BlockSpec((_TC_BLK, _LANES), lambda i: (i, 0))],
        out_specs=pl.BlockSpec((2, _TC_BLK, 8, _LANES),
                               lambda i: (0, i, 0, 0)),
        out_shape=jax.ShapeDtypeStruct((2, _SQ_ROWS, 8, _LANES),
                                       jnp.float32),
    )
    out4 = rbf(sq.reshape(_SQ_ROWS, _LANES))
    return out4.transpose(1, 3, 0, 2).reshape(_N_EDGES, _OUT_DIM)

# --- scband reference (transcript-rebuilt; emitter-appended) ---
"""Pipeline reference for scband-radial-embedding-32787780338149 (READ-ONLY COPY).

The authoritative reference and input builder live on the scoring server;
editing this copy changes nothing except your own understanding.
"""

import jax, jax.numpy as jnp
import numpy as np

N_NODES = 100000
N_EDGES = 1600000
OUT_DIM = 16
CUTOFF = 5.0
GAMMA = 10.0
EPS = 1e-6


def setup_inputs(seed: int = 0) -> dict:
    key = jax.random.key(seed)
    k1, k2 = jax.random.split(key)
    pos = jax.random.normal(k1, (N_NODES, 3), dtype=jnp.float32)
    edge_index = jax.random.randint(k2, (2, N_EDGES), 0, N_NODES, dtype=jnp.int32)
    return {"pos": pos, "edge_index": edge_index}


def _compute_edge_vec(pos, edge_index):
    # pos_i: receiving node positions, pos_j: sending node positions
    pos_i = jnp.take(pos, edge_index[1], axis=0)
    pos_j = jnp.take(pos, edge_index[0], axis=0)
    return pos_j - pos_i


def _double_gradient_safe_norm(edge_vec, eps=EPS):
    # zero-out norms of (near-)zero vectors while staying differentiable
    non_zero_mask = jnp.sum(jnp.abs(edge_vec), axis=-1) > eps
    sq = jnp.sum(edge_vec * edge_vec, axis=-1)
    safe_sq = jnp.where(non_zero_mask, sq, 1.0)
    norm = jnp.where(non_zero_mask, jnp.sqrt(safe_sq), 0.0)
    return norm[:, None]


def _compute_embedding(norm):
    # Gaussian radial basis expansion (standard concrete RadialEmbedding),
    # norm: [E, 1] -> [E, OUT_DIM]
    offsets = jnp.linspace(0.0, CUTOFF, OUT_DIM, dtype=jnp.float32)
    diff = norm - offsets[None, :]
    return jnp.exp(-GAMMA * diff * diff)


def reference(pos, edge_index):
    edge_vec = _compute_edge_vec(pos, edge_index)
    norm = _double_gradient_safe_norm(edge_vec)
    return _compute_embedding(norm)

if __name__ == "__main__":
    import jax
    _d = setup_inputs()
    print(jax.jit(kernel)(*tuple(_d.values())))

</pallas_src>

<mosaic_0001>
#map = affine_map<(d0, d1) -> (0)>
module attributes {stable_mosaic.version = 14 : i64} {
  func.func @_sq_kernel(%arg0: i32, %arg1: i32, %arg2: memref<100000xf32, #tpu.memory_space<hbm>>, %arg3: memref<100000xf32, #tpu.memory_space<hbm>>, %arg4: memref<100000xf32, #tpu.memory_space<hbm>>, %arg5: memref<1600000xi32, #tpu.memory_space<hbm>>, %arg6: memref<1600000xi32, #tpu.memory_space<hbm>>, %arg7: memref<1600000xf32, #tpu.memory_space<hbm>>, %arg8: memref<2000xi32, #tpu.memory_space<vmem>>, %arg9: memref<2000xi32, #tpu.memory_space<vmem>>, %arg10: memref<2000xf32, #tpu.memory_space<vmem>>, %arg11: memref<2000xf32, #tpu.memory_space<vmem>>, %arg12: memref<2000xf32, #tpu.memory_space<vmem>>, %arg13: memref<2000xf32, #tpu.memory_space<vmem>>, %arg14: memref<2000xf32, #tpu.memory_space<vmem>>, %arg15: memref<2000xf32, #tpu.memory_space<vmem>>, %arg16: memref<2000xf32, #tpu.memory_space<vmem>>, %arg17: memref<2000xi32, #tpu.memory_space<vmem>>, %arg18: memref<2000xi32, #tpu.memory_space<vmem>>, %arg19: memref<2000xf32, #tpu.memory_space<vmem>>, %arg20: memref<2000xf32, #tpu.memory_space<vmem>>, %arg21: memref<2000xf32, #tpu.memory_space<vmem>>, %arg22: memref<2000xf32, #tpu.memory_space<vmem>>, %arg23: memref<2000xf32, #tpu.memory_space<vmem>>, %arg24: memref<2000xf32, #tpu.memory_space<vmem>>, %arg25: memref<2000xf32, #tpu.memory_space<vmem>>, %arg26: memref<!tpu.dma_semaphore, #tpu.memory_space<semaphore_mem>>, %arg27: memref<!tpu.dma_semaphore, #tpu.memory_space<semaphore_mem>>, %arg28: memref<!tpu.dma_semaphore, #tpu.memory_space<semaphore_mem>>, %arg29: memref<!tpu.dma_semaphore, #tpu.memory_space<semaphore_mem>>) attributes {dimension_semantics = [#tpu.dimension_semantics<core_parallel>, #tpu.dimension_semantics<subcore_parallel>], iteration_bounds = array<i64: 2, 16>, scalar_prefetch = 0 : i64, scratch_operands = 22 : i64, tpu.core_type = #tpu.core_type<sc_vector_subcore>, window_params = [{transform_indices = #map}, {transform_indices = #map}, {transform_indices = #map}, {transform_indices = #map}, {transform_indices = #map}, {transform_indices = #map}]} {
    %mul3A = arith.constant 2 : i32
    %mul3A_0 = arith.muli %arg1, %mul3A : i32
    %add3A = arith.addi %mul3A_0, %arg0 : i32
    %mul3A_1 = arith.constant 50000 : i32
    %mul3A_2 = arith.muli %add3A, %mul3A_1 : i32
    %add3A_3 = arith.constant 0 : i32
    %add3A_4 = arith.addi %mul3A_2, %add3A_3 : i32
    "tpu.region"() ({
      %run_scoped3A = tpu.sem_alloc : memref<!tpu.dma_semaphore, #tpu.memory_space<semaphore_mem>>
      %dma_start3A_28 = tpu.memref_slice %arg5[%add3A_4] : memref<1600000xi32, #tpu.memory_space<hbm>> -> memref<2000xi32, #tpu.memory_space<hbm>>
      %dma_start3A_29 = tpu.memref_slice %arg5[%add3A_4] : memref<1600000xi32, #tpu.memory_space<hbm>> -> memref<2000xi32, #tpu.memory_space<hbm>>
      tpu.enqueue_dma source(%dma_start3A_29 : memref<2000xi32, #tpu.memory_space<hbm>>) target(%arg8 : memref<2000xi32, #tpu.memory_space<vmem>>) target_semaphore(%run_scoped3A : memref<!tpu.dma_semaphore, #tpu.memory_space<semaphore_mem>>)
      %dma_wait3A_30 = tpu.memref_slice %arg5[%add3A_4] : memref<1600000xi32, #tpu.memory_space<hbm>> -> memref<2000xi32, #tpu.memory_space<hbm>>
      %dma_wait3A_31 = tpu.memref_slice %arg5[%add3A_4] : memref<1600000xi32, #tpu.memory_space<hbm>> -> memref<2000xi32, #tpu.memory_space<hbm>>
      tpu.wait_dma2 semaphore(%run_scoped3A : memref<!tpu.dma_semaphore, #tpu.memory_space<semaphore_mem>>) src(%dma_wait3A_31 : memref<2000xi32, #tpu.memory_space<hbm>>) dst(%arg8 : memref<2000xi32, #tpu.memory_space<vmem>>)
      tpu.yield
    }) : () -> ()
    "tpu.region"() ({
      %run_scoped3A = tpu.sem_alloc : memref<!tpu.dma_semaphore, #tpu.memory_space<semaphore_mem>>
      %dma_start3A_28 = tpu.memref_slice %arg6[%add3A_4] : memref<1600000xi32, #tpu.memory_space<hbm>> -> memref<2000xi32, #tpu.memory_space<hbm>>
      %dma_start3A_29 = tpu.memref_slice %arg6[%add3A_4] : memref<1600000xi32, #tpu.memory_space<hbm>> -> memref<2000xi32, #tpu.memory_space<hbm>>
      tpu.enqueue_dma source(%dma_start3A_29 : memref<2000xi32, #tpu.memory_space<hbm>>) target(%arg9 : memref<2000xi32, #tpu.memory_space<vmem>>) target_semaphore(%run_scoped3A : memref<!tpu.dma_semaphore, #tpu.memory_space<semaphore_mem>>)
      %dma_wait3A_30 = tpu.memref_slice %arg6[%add3A_4] : memref<1600000xi32, #tpu.memory_space<hbm>> -> memref<2000xi32, #tpu.memory_space<hbm>>
      %dma_wait3A_31 = tpu.memref_slice %arg6[%add3A_4] : memref<1600000xi32, #tpu.memory_space<hbm>> -> memref<2000xi32, #tpu.memory_space<hbm>>
      tpu.wait_dma2 semaphore(%run_scoped3A : memref<!tpu.dma_semaphore, #tpu.memory_space<semaphore_mem>>) src(%dma_wait3A_31 : memref<2000xi32, #tpu.memory_space<hbm>>) dst(%arg9 : memref<2000xi32, #tpu.memory_space<vmem>>)
      tpu.yield
    }) : () -> ()
    %dma_start3A = arith.constant 0 : i32
    %dma_start3A_5 = tpu.memref_slice %arg2[%dma_start3A] : memref<100000xf32, #tpu.memory_space<hbm>> -> memref<100000xf32, #tpu.memory_space<hbm>>
    tpu.enqueue_indirect_dma source(%dma_start3A_5 : memref<100000xf32, #tpu.memory_space<hbm>>) target(%arg10 : memref<2000xf32, #tpu.memory_space<vmem>>) offsets(%arg8 : memref<2000xi32, #tpu.memory_space<vmem>>) semaphore(%arg26 : memref<!tpu.dma_semaphore, #tpu.memory_space<semaphore_mem>>)
    %dma_start3A_6 = arith.constant 0 : i32
    %dma_start3A_7 = tpu.memref_slice %arg3[%dma_start3A_6] : memref<100000xf32, #tpu.memory_space<hbm>> -> memref<100000xf32, #tpu.memory_space<hbm>>
    tpu.enqueue_indirect_dma source(%dma_start3A_7 : memref<100000xf32, #tpu.memory_space<hbm>>) target(%arg11 : memref<2000xf32, #tpu.memory_space<vmem>>) offsets(%arg8 : memref<2000xi32, #tpu.memory_space<vmem>>) semaphore(%arg26 : memref<!tpu.dma_semaphore, #tpu.memory_space<semaphore_mem>>)
    %dma_start3A_8 = arith.constant 0 : i32
    %dma_start3A_9 = tpu.memref_slice %arg4[%dma_start3A_8] : memref<100000xf32, #tpu.memory_space<hbm>> -> memref<100000xf32, #tpu.memory_space<hbm>>
    tpu.enqueue_indirect_dma source(%dma_start3A_9 : memref<100000xf32, #tpu.memory_space<hbm>>) target(%arg12 : memref<2000xf32, #tpu.memory_space<vmem>>) offsets(%arg8 : memref<2000xi32, #tpu.memory_space<vmem>>) semaphore(%arg26 : memref<!tpu.dma_semaphore, #tpu.memory_space<semaphore_mem>>)
    %dma_start3A_10 = arith.constant 0 : i32
    %dma_start3A_11 = tpu.memref_slice %arg2[%dma_start3A_10] : memref<100000xf32, #tpu.memory_space<hbm>> -> memref<100000xf32, #tpu.memory_space<hbm>>
    tpu.enqueue_indirect_dma source(%dma_start3A_11 : memref<100000xf32, #tpu.memory_space<hbm>>) target(%arg13 : memref<2000xf32, #tpu.memory_space<vmem>>) offsets(%arg9 : memref<2000xi32, #tpu.memory_space<vmem>>) semaphore(%arg26 : memref<!tpu.dma_semaphore, #tpu.memory_space<semaphore_mem>>)
    %dma_start3A_12 = arith.constant 0 : i32
    %dma_start3A_13 = tpu.memref_slice %arg3[%dma_start3A_12] : memref<100000xf32, #tpu.memory_space<hbm>> -> memref<100000xf32, #tpu.memory_space<hbm>>
    tpu.enqueue_indirect_dma source(%dma_start3A_13 : memref<100000xf32, #tpu.memory_space<hbm>>) target(%arg14 : memref<2000xf32, #tpu.memory_space<vmem>>) offsets(%arg9 : memref<2000xi32, #tpu.memory_space<vmem>>) semaphore(%arg26 : memref<!tpu.dma_semaphore, #tpu.memory_space<semaphore_mem>>)
    %dma_start3A_14 = arith.constant 0 : i32
    %dma_start3A_15 = tpu.memref_slice %arg4[%dma_start3A_14] : memref<100000xf32, #tpu.memory_space<hbm>> -> memref<100000xf32, #tpu.memory_space<hbm>>
    tpu.enqueue_indirect_dma source(%dma_start3A_15 : memref<100000xf32, #tpu.memory_space<hbm>>) target(%arg15 : memref<2000xf32, #tpu.memory_space<vmem>>) offsets(%arg9 : memref<2000xi32, #tpu.memory_space<vmem>>) semaphore(%arg26 : memref<!tpu.dma_semaphore, #tpu.memory_space<semaphore_mem>>)
    %scan3A = arith.constant 0 : i32
    %scan3A_16 = arith.constant 0 : i32
    %scan3A_17 = arith.constant 25 : i32
    %scan3A_18 = arith.addi %scan3A_16, %scan3A_17 : i32
    %scan3A_19 = arith.constant 1 : i32
    scf.for %scan3A_28 = %scan3A_16 to %scan3A_18 step %scan3A_19  : i32 {
      %and3A = arith.constant 1 : i32
      %and3A_29 = arith.andi %scan3A_28, %and3A : i32
      %eq3A = arith.constant 0 : i32
      %eq3A_30 = arith.cmpi eq, %and3A_29, %eq3A : i32
      %convert_element_type3A = arith.extui %eq3A_30 : i1 to i32
      %cond3A = arith.constant 0 : i32
      %cond3A_31 = arith.cmpi ne, %convert_element_type3A, %cond3A : i32
      scf.if %cond3A_31 {
        %add3A_39 = arith.constant 1 : i32
        %add3A_40 = arith.addi %scan3A_28, %add3A_39 : i32
        %lt3A = arith.constant 25 : i32
        %lt3A_41 = arith.cmpi slt, %add3A_40, %lt3A : i32
        %convert_element_type3A_42 = arith.extui %lt3A_41 : i1 to i32
        %cond3A_43 = arith.constant 0 : i32
        %cond3A_44 = arith.cmpi ne, %convert_element_type3A_42, %cond3A_43 : i32
        scf.if %cond3A_44 {
          %add3A_84 = arith.constant 1 : i32
          %add3A_85 = arith.addi %scan3A_28, %add3A_84 : i32
          %mul3A_86 = arith.constant 2000 : i32
          %mul3A_87 = arith.muli %add3A_85, %mul3A_86 : i32
          %add3A_88 = arith.addi %mul3A_2, %mul3A_87 : i32
          "tpu.region"() ({
            %run_scoped3A = tpu.sem_alloc : memref<!tpu.dma_semaphore, #tpu.memory_space<semaphore_mem>>
            %dma_start3A_101 = tpu.memref_slice %arg5[%add3A_88] : memref<1600000xi32, #tpu.memory_space<hbm>> -> memref<2000xi32, #tpu.memory_space<hbm>>
            %dma_start3A_102 = tpu.memref_slice %arg5[%add3A_88] : memref<1600000xi32, #tpu.memory_space<hbm>> -> memref<2000xi32, #tpu.memory_space<hbm>>
            tpu.enqueue_dma source(%dma_start3A_102 : memref<2000xi32, #tpu.memory_space<hbm>>) target(%arg17 : memref<2000xi32, #tpu.memory_space<vmem>>) target_semaphore(%run_scoped3A : memref<!tpu.dma_semaphore, #tpu.memory_space<semaphore_mem>>)
            %dma_wait3A_103 = tpu.memref_slice %arg5[%add3A_88] : memref<1600000xi32, #tpu.memory_space<hbm>> -> memref<2000xi32, #tpu.memory_space<hbm>>
            %dma_wait3A_104 = tpu.memref_slice %arg5[%add3A_88] : memref<1600000xi32, #tpu.memory_space<hbm>> -> memref<2000xi32, #tpu.memory_space<hbm>>
            tpu.wait_dma2 semaphore(%run_scoped3A : memref<!tpu.dma_semaphore, #tpu.memory_space<semaphore_mem>>) src(%dma_wait3A_104 : memref<2000xi32, #tpu.memory_space<hbm>>) dst(%arg17 : memref<2000xi32, #tpu.memory_space<vmem>>)
            tpu.yield
          }) : () -> ()
          "tpu.region"() ({
            %run_scoped3A = tpu.sem_alloc : memref<!tpu.dma_semaphore, #tpu.memory_space<semaphore_mem>>
            %dma_start3A_101 = tpu.memref_slice %arg6[%add3A_88] : memref<1600000xi32, #tpu.memory_space<hbm>> -> memref<2000xi32, #tpu.memory_space<hbm>>
            %dma_start3A_102 = tpu.memref_slice %arg6[%add3A_88] : memref<1600000xi32, #tpu.memory_space<hbm>> -> memref<2000xi32, #tpu.memory_space<hbm>>
            tpu.enqueue_dma source(%dma_start3A_102 : memref<2000xi32, #tpu.memory_space<hbm>>) target(%arg18 : memref<2000xi32, #tpu.memory_space<vmem>>) target_semaphore(%run_scoped3A : memref<!tpu.dma_semaphore, #tpu.memory_space<semaphore_mem>>)
            %dma_wait3A_103 = tpu.memref_slice %arg6[%add3A_88] : memref<1600000xi32, #tpu.memory_space<hbm>> -> memref<2000xi32, #tpu.memory_space<hbm>>
            %dma_wait3A_104 = tpu.memref_slice %arg6[%add3A_88] : memref<1600000xi32, #tpu.memory_space<hbm>> -> memref<2000xi32, #tpu.memory_space<hbm>>
            tpu.wait_dma2 semaphore(%run_scoped3A : memref<!tpu.dma_semaphore, #tpu.memory_space<semaphore_mem>>) src(%dma_wait3A_104 : memref<2000xi32, #tpu.memory_space<hbm>>) dst(%arg18 : memref<2000xi32, #tpu.memory_space<vmem>>)
            tpu.yield
          }) : () -> ()
          %dma_start3A_89 = arith.constant 0 : i32
          %dma_start3A_90 = tpu.memref_slice %arg2[%dma_start3A_89] : memref<100000xf32, #tpu.memory_space<hbm>> -> memref<100000xf32, #tpu.memory_space<hbm>>
          tpu.enqueue_indirect_dma source(%dma_start3A_90 : memref<100000xf32, #tpu.memory_space<hbm>>) target(%arg19 : memref<2000xf32, #tpu.memory_space<vmem>>) offsets(%arg17 : memref<2000xi32, #tpu.memory_space<vmem>>) semaphore(%arg27 : memref<!tpu.dma_semaphore, #tpu.memory_space<semaphore_mem>>)
          %dma_start3A_91 = arith.constant 0 : i32
          %dma_start3A_92 = tpu.memref_slice %arg3[%dma_start3A_91] : memref<100000xf32, #tpu.memory_space<hbm>> -> memref<100000xf32, #tpu.memory_space<hbm>>
          tpu.enqueue_indirect_dma source(%dma_start3A_92 : memref<100000xf32, #tpu.memory_space<hbm>>) target(%arg20 : memref<2000xf32, #tpu.memory_space<vmem>>) offsets(%arg17 : memref<2000xi32, #tpu.memory_space<vmem>>) semaphore(%arg27 : memref<!tpu.dma_semaphore, #tpu.memory_space<semaphore_mem>>)
          %dma_start3A_93 = arith.constant 0 : i32
          %dma_start3A_94 = tpu.memref_slice %arg4[%dma_start3A_93] : memref<100000xf32, #tpu.memory_space<hbm>> -> memref<100000xf32, #tpu.memory_space<hbm>>
          tpu.enqueue_indirect_dma source(%dma_start3A_94 : memref<100000xf32, #tpu.memory_space<hbm>>) target(%arg21 : memref<2000xf32, #tpu.memory_space<vmem>>) offsets(%arg17 : memref<2000xi32, #tpu.memory_space<vmem>>) semaphore(%arg27 : memref<!tpu.dma_semaphore, #tpu.memory_space<semaphore_mem>>)
          %dma_start3A_95 = arith.constant 0 : i32
          %dma_start3A_96 = tpu.memref_slice %arg2[%dma_start3A_95] : memref<100000xf32, #tpu.memory_space<hbm>> -> memref<100000xf32, #tpu.memory_space<hbm>>
          tpu.enqueue_indirect_dma source(%dma_start3A_96 : memref<100000xf32, #tpu.memory_space<hbm>>) target(%arg22 : memref<2000xf32, #tpu.memory_space<vmem>>) offsets(%arg18 : memref<2000xi32, #tpu.memory_space<vmem>>) semaphore(%arg27 : memref<!tpu.dma_semaphore, #tpu.memory_space<semaphore_mem>>)
          %dma_start3A_97 = arith.constant 0 : i32
          %dma_start3A_98 = tpu.memref_slice %arg3[%dma_start3A_97] : memref<100000xf32, #tpu.memory_space<hbm>> -> memref<100000xf32, #tpu.memory_space<hbm>>
          tpu.enqueue_indirect_dma source(%dma_start3A_98 : memref<100000xf32, #tpu.memory_space<hbm>>) target(%arg23 : memref<2000xf32, #tpu.memory_space<vmem>>) offsets(%arg18 : memref<2000xi32, #tpu.memory_space<vmem>>) semaphore(%arg27 : memref<!tpu.dma_semaphore, #tpu.memory_space<semaphore_mem>>)
          %dma_start3A_99 = arith.constant 0 : i32
          %dma_start3A_100 = tpu.memref_slice %arg4[%dma_start3A_99] : memref<100000xf32, #tpu.memory_space<hbm>> -> memref<100000xf32, #tpu.memory_space<hbm>>
          tpu.enqueue_indirect_dma source(%dma_start3A_100 : memref<100000xf32, #tpu.memory_space<hbm>>) target(%arg24 : memref<2000xf32, #tpu.memory_space<vmem>>) offsets(%arg18 : memref<2000xi32, #tpu.memory_space<vmem>>) semaphore(%arg27 : memref<!tpu.dma_semaphore, #tpu.memory_space<semaphore_mem>>)
        } else {
        }
        %dma_wait3A_45 = arith.constant 0 : i32
        %dma_wait3A_46 = tpu.memref_slice %arg2[%dma_wait3A_45] : memref<100000xf32, #tpu.memory_space<hbm>> -> memref<2000xf32, #tpu.memory_space<hbm>>
        %dma_wait3A_47 = arith.constant 0 : i32
        %dma_wait3A_48 = tpu.memref_slice %arg2[%dma_wait3A_47] : memref<100000xf32, #tpu.memory_space<hbm>> -> memref<2000xf32, #tpu.memory_space<hbm>>
        tpu.wait_dma2 semaphore(%arg26 : memref<!tpu.dma_semaphore, #tpu.memory_space<semaphore_mem>>) src(%dma_wait3A_48 : memref<2000xf32, #tpu.memory_space<hbm>>) dst(%arg10 : memref<2000xf32, #tpu.memory_space<vmem>>)
        %dma_wait3A_49 = arith.constant 0 : i32
        %dma_wait3A_50 = tpu.memref_slice %arg2[%dma_wait3A_49] : memref<100000xf32, #tpu.memory_space<hbm>> -> memref<2000xf32, #tpu.memory_space<hbm>>
        %dma_wait3A_51 = arith.constant 0 : i32
        %dma_wait3A_52 = tpu.memref_slice %arg2[%dma_wait3A_51] : memref<100000xf32, #tpu.memory_space<hbm>> -> memref<2000xf32, #tpu.memory_space<hbm>>
        tpu.wait_dma2 semaphore(%arg26 : memref<!tpu.dma_semaphore, #tpu.memory_space<semaphore_mem>>) src(%dma_wait3A_52 : memref<2000xf32, #tpu.memory_space<hbm>>) dst(%arg11 : memref<2000xf32, #tpu.memory_space<vmem>>)
        %dma_wait3A_53 = arith.constant 0 : i32
        %dma_wait3A_54 = tpu.memref_slice %arg2[%dma_wait3A_53] : memref<100000xf32, #tpu.memory_space<hbm>> -> memref<2000xf32, #tpu.memory_space<hbm>>
        %dma_wait3A_55 = arith.constant 0 : i32
        %dma_wait3A_56 = tpu.memref_slice %arg2[%dma_wait3A_55] : memref<100000xf32, #tpu.memory_space<hbm>> -> memref<2000xf32, #tpu.memory_space<hbm>>
        tpu.wait_dma2 semaphore(%arg26 : memref<!tpu.dma_semaphore, #tpu.memory_space<semaphore_mem>>) src(%dma_wait3A_56 : memref<2000xf32, #tpu.memory_space<hbm>>) dst(%arg12 : memref<2000xf32, #tpu.memory_space<vmem>>)
        %dma_wait3A_57 = arith.constant 0 : i32
        %dma_wait3A_58 = tpu.memref_slice %arg2[%dma_wait3A_57] : memref<100000xf32, #tpu.memory_space<hbm>> -> memref<2000xf32, #tpu.memory_space<hbm>>
        %dma_wait3A_59 = arith.constant 0 : i32
        %dma_wait3A_60 = tpu.memref_slice %arg2[%dma_wait3A_59] : memref<100000xf32, #tpu.memory_space<hbm>> -> memref<2000xf32, #tpu.memory_space<hbm>>
        tpu.wait_dma2 semaphore(%arg26 : memref<!tpu.dma_semaphore, #tpu.memory_space<semaphore_mem>>) src(%dma_wait3A_60 : memref<2000xf32, #tpu.memory_space<hbm>>) dst(%arg13 : memref<2000xf32, #tpu.memory_space<vmem>>)
        %dma_wait3A_61 = arith.constant 0 : i32
        %dma_wait3A_62 = tpu.memref_slice %arg2[%dma_wait3A_61] : memref<100000xf32, #tpu.memory_space<hbm>> -> memref<2000xf32, #tpu.memory_space<hbm>>
        %dma_wait3A_63 = arith.constant 0 : i32
        %dma_wait3A_64 = tpu.memref_slice %arg2[%dma_wait3A_63] : memref<100000xf32, #tpu.memory_space<hbm>> -> memref<2000xf32, #tpu.memory_space<hbm>>
        tpu.wait_dma2 semaphore(%arg26 : memref<!tpu.dma_semaphore, #tpu.memory_space<semaphore_mem>>) src(%dma_wait3A_64 : memref<2000xf32, #tpu.memory_space<hbm>>) dst(%arg14 : memref<2000xf32, #tpu.memory_space<vmem>>)
        %dma_wait3A_65 = arith.constant 0 : i32
        %dma_wait3A_66 = tpu.memref_slice %arg2[%dma_wait3A_65] : memref<100000xf32, #tpu.memory_space<hbm>> -> memref<2000xf32, #tpu.memory_space<hbm>>
        %dma_wait3A_67 = arith.constant 0 : i32
        %dma_wait3A_68 = tpu.memref_slice %arg2[%dma_wait3A_67] : memref<100000xf32, #tpu.memory_space<hbm>> -> memref<2000xf32, #tpu.memory_space<hbm>>
        tpu.wait_dma2 semaphore(%arg26 : memref<!tpu.dma_semaphore, #tpu.memory_space<semaphore_mem>>) src(%dma_wait3A_68 : memref<2000xf32, #tpu.memory_space<hbm>>) dst(%arg15 : memref<2000xf32, #tpu.memory_space<vmem>>)
        %ge3A = arith.constant 2 : i32
        %ge3A_69 = arith.cmpi sge, %scan3A_28, %ge3A : i32
        %convert_element_type3A_70 = arith.extui %ge3A_69 : i1 to i32
        %cond3A_71 = arith.constant 0 : i32
        %cond3A_72 = arith.cmpi ne, %convert_element_type3A_70, %cond3A_71 : i32
        scf.if %cond3A_72 {
          %dma_wait3A_84 = arith.constant 0 : i32
          %dma_wait3A_85 = tpu.memref_slice %arg7[%dma_wait3A_84] : memref<1600000xf32, #tpu.memory_space<hbm>> -> memref<2000xf32, #tpu.memory_space<hbm>>
          %dma_wait3A_86 = arith.constant 0 : i32
          %dma_wait3A_87 = tpu.memref_slice %arg7[%dma_wait3A_86] : memref<1600000xf32, #tpu.memory_space<hbm>> -> memref<2000xf32, #tpu.memory_space<hbm>>
          tpu.wait_dma2 semaphore(%arg28 : memref<!tpu.dma_semaphore, #tpu.memory_space<semaphore_mem>>) src(%arg16 : memref<2000xf32, #tpu.memory_space<vmem>>) dst(%dma_wait3A_87 : memref<2000xf32, #tpu.memory_space<hbm>>)
        } else {
        }
        %scan3A_73 = arith.constant 0 : i32
        %scan3A_74 = arith.constant 0 : i32
        %scan3A_75 = arith.constant 125 : i32
        %scan3A_76 = arith.addi %scan3A_74, %scan3A_75 : i32
        %scan3A_77 = arith.constant 1 : i32
        scf.for %scan3A_84 = %scan3A_74 to %scan3A_76 step %scan3A_77  : i32 {
          %mul3A_85 = arith.constant 16 : i32
          %mul3A_86 = arith.muli %scan3A_84, %mul3A_85 : i32
          %get3A = arith.index_cast %mul3A_86 : i32 to index
          %get3A_87 = tpu.vector_load %arg10[%get3A] {strides = array<i32>} : memref<2000xf32, #tpu.memory_space<vmem>>, vector<16xf32>,
          %get3A_88 = vector.shape_cast %get3A_87 : vector<16xf32> to vector<16xf32>
          %get3A_89 = arith.index_cast %mul3A_86 : i32 to index
          %get3A_90 = tpu.vector_load %arg13[%get3A_89] {strides = array<i32>} : memref<2000xf32, #tpu.memory_space<vmem>>, vector<16xf32>,
          %get3A_91 = vector.shape_cast %get3A_90 : vector<16xf32> to vector<16xf32>
          %sub3A = arith.subf %get3A_88, %get3A_91 : vector<16xf32>
          %get3A_92 = arith.index_cast %mul3A_86 : i32 to index
          %get3A_93 = tpu.vector_load %arg11[%get3A_92] {strides = array<i32>} : memref<2000xf32, #tpu.memory_space<vmem>>, vector<16xf32>,
          %get3A_94 = vector.shape_cast %get3A_93 : vector<16xf32> to vector<16xf32>
          %get3A_95 = arith.index_cast %mul3A_86 : i32 to index
          %get3A_96 = tpu.vector_load %arg14[%get3A_95] {strides = array<i32>} : memref<2000xf32, #tpu.memory_space<vmem>>, vector<16xf32>,
          %get3A_97 = vector.shape_cast %get3A_96 : vector<16xf32> to vector<16xf32>
          %sub3A_98 = arith.subf %get3A_94, %get3A_97 : vector<16xf32>
          %get3A_99 = arith.index_cast %mul3A_86 : i32 to index
          %get3A_100 = tpu.vector_load %arg12[%get3A_99] {strides = array<i32>} : memref<2000xf32, #tpu.memory_space<vmem>>, vector<16xf32>,
          %get3A_101 = vector.shape_cast %get3A_100 : vector<16xf32> to vector<16xf32>
          %get3A_102 = arith.index_cast %mul3A_86 : i32 to index
          %get3A_103 = tpu.vector_load %arg15[%get3A_102] {strides = array<i32>} : memref<2000xf32, #tpu.memory_space<vmem>>, vector<16xf32>,
          %get3A_104 = vector.shape_cast %get3A_103 : vector<16xf32> to vector<16xf32>
          %sub3A_105 = arith.subf %get3A_101, %get3A_104 : vector<16xf32>
          %mul3A_106 = arith.mulf %sub3A, %sub3A : vector<16xf32>
          %mul3A_107 = arith.mulf %sub3A_98, %sub3A_98 : vector<16xf32>
          %add3A_108 = arith.addf %mul3A_106, %mul3A_107 : vector<16xf32>
          %mul3A_109 = arith.mulf %sub3A_105, %sub3A_105 : vector<16xf32>
          %add3A_110 = arith.addf %add3A_108, %mul3A_109 : vector<16xf32>
          %swap3A = arith.index_cast %mul3A_86 : i32 to index
          %swap3A_111 = tpu.vector_load %arg16[%swap3A] {strides = array<i32>} : memref<2000xf32, #tpu.memory_space<vmem>>, vector<16xf32>,
          %swap3A_112 = vector.shape_cast %swap3A_111 : vector<16xf32> to vector<16xf32>
          %swap3A_113 = vector.shape_cast %add3A_110 : vector<16xf32> to vector<16xf32>
          tpu.vector_store %arg16[%swap3A], %swap3A_113 {strides = array<i32>} : memref<2000xf32, #tpu.memory_space<vmem>>, vector<16xf32>,
        }
        %scan3A_78 = arith.constant 125 : i32
        %mul3A_79 = arith.constant 2000 : i32
        %mul3A_80 = arith.muli %scan3A_28, %mul3A_79 : i32
        %add3A_81 = arith.addi %mul3A_2, %mul3A_80 : i32
        %dma_start3A_82 = tpu.memref_slice %arg7[%add3A_81] : memref<1600000xf32, #tpu.memory_space<hbm>> -> memref<2000xf32, #tpu.memory_space<hbm>>
        %dma_start3A_83 = tpu.memref_slice %arg7[%add3A_81] : memref<1600000xf32, #tpu.memory_space<hbm>> -> memref<2000xf32, #tpu.memory_space<hbm>>
        tpu.enqueue_dma source(%arg16 : memref<2000xf32, #tpu.memory_space<vmem>>) target(%dma_start3A_83 : memref<2000xf32, #tpu.memory_space<hbm>>) target_semaphore(%arg28 : memref<!tpu.dma_semaphore, #tpu.memory_space<semaphore_mem>>)
      } else {
      }
      %and3A_32 = arith.constant 1 : i32
      %and3A_33 = arith.andi %scan3A_28, %and3A_32 : i32
      %eq3A_34 = arith.constant 1 : i32
      %eq3A_35 = arith.cmpi eq, %and3A_33, %eq3A_34 : i32
      %convert_element_type3A_36 = arith.extui %eq3A_35 : i1 to i32
      %cond3A_37 = arith.constant 0 : i32
      %cond3A_38 = arith.cmpi ne, %convert_element_type3A_36, %cond3A_37 : i32
      scf.if %cond3A_38 {
        %add3A_39 = arith.constant 1 : i32
        %add3A_40 = arith.addi %scan3A_28, %add3A_39 : i32
        %lt3A = arith.constant 25 : i32
        %lt3A_41 = arith.cmpi slt, %add3A_40, %lt3A : i32
        %convert_element_type3A_42 = arith.extui %lt3A_41 : i1 to i32
        %cond3A_43 = arith.constant 0 : i32
        %cond3A_44 = arith.cmpi ne, %convert_element_type3A_42, %cond3A_43 : i32
        scf.if %cond3A_44 {
          %add3A_84 = arith.constant 1 : i32
          %add3A_85 = arith.addi %scan3A_28, %add3A_84 : i32
          %mul3A_86 = arith.constant 2000 : i32
          %mul3A_87 = arith.muli %add3A_85, %mul3A_86 : i32
          %add3A_88 = arith.addi %mul3A_2, %mul3A_87 : i32
          "tpu.region"() ({
            %run_scoped3A = tpu.sem_alloc : memref<!tpu.dma_semaphore, #tpu.memory_space<semaphore_mem>>
            %dma_start3A_101 = tpu.memref_slice %arg5[%add3A_88] : memref<1600000xi32, #tpu.memory_space<hbm>> -> memref<2000xi32, #tpu.memory_space<hbm>>
            %dma_start3A_102 = tpu.memref_slice %arg5[%add3A_88] : memref<1600000xi32, #tpu.memory_space<hbm>> -> memref<2000xi32, #tpu.memory_space<hbm>>
            tpu.enqueue_dma source(%dma_start3A_102 : memref<2000xi32, #tpu.memory_space<hbm>>) target(%arg8 : memref<2000xi32, #tpu.memory_space<vmem>>) target_semaphore(%run_scoped3A : memref<!tpu.dma_semaphore, #tpu.memory_space<semaphore_mem>>)
            %dma_wait3A_103 = tpu.memref_slice %arg5[%add3A_88] : memref<1600000xi32, #tpu.memory_space<hbm>> -> memref<2000xi32, #tpu.memory_space<hbm>>
            %dma_wait3A_104 = tpu.memref_slice %arg5[%add3A_88] : memref<1600000xi32, #tpu.memory_space<hbm>> -> memref<2000xi32, #tpu.memory_space<hbm>>
            tpu.wait_dma2 semaphore(%run_scoped3A : memref<!tpu.dma_semaphore, #tpu.memory_space<semaphore_mem>>) src(%dma_wait3A_104 : memref<2000xi32, #tpu.memory_space<hbm>>) dst(%arg8 : memref<2000xi32, #tpu.memory_space<vmem>>)
            tpu.yield
          }) : () -> ()
          "tpu.region"() ({
            %run_scoped3A = tpu.sem_alloc : memref<!tpu.dma_semaphore, #tpu.memory_space<semaphore_mem>>
            %dma_start3A_101 = tpu.memref_slice %arg6[%add3A_88] : memref<1600000xi32, #tpu.memory_space<hbm>> -> memref<2000xi32, #tpu.memory_space<hbm>>
            %dma_start3A_102 = tpu.memref_slice %arg6[%add3A_88] : memref<1600000xi32, #tpu.memory_space<hbm>> -> memref<2000xi32, #tpu.memory_space<hbm>>
            tpu.enqueue_dma source(%dma_start3A_102 : memref<2000xi32, #tpu.memory_space<hbm>>) target(%arg9 : memref<2000xi32, #tpu.memory_space<vmem>>) target_semaphore(%run_scoped3A : memref<!tpu.dma_semaphore, #tpu.memory_space<semaphore_mem>>)
            %dma_wait3A_103 = tpu.memref_slice %arg6[%add3A_88] : memref<1600000xi32, #tpu.memory_space<hbm>> -> memref<2000xi32, #tpu.memory_space<hbm>>
            %dma_wait3A_104 = tpu.memref_slice %arg6[%add3A_88] : memref<1600000xi32, #tpu.memory_space<hbm>> -> memref<2000xi32, #tpu.memory_space<hbm>>
            tpu.wait_dma2 semaphore(%run_scoped3A : memref<!tpu.dma_semaphore, #tpu.memory_space<semaphore_mem>>) src(%dma_wait3A_104 : memref<2000xi32, #tpu.memory_space<hbm>>) dst(%arg9 : memref<2000xi32, #tpu.memory_space<vmem>>)
            tpu.yield
          }) : () -> ()
          %dma_start3A_89 = arith.constant 0 : i32
          %dma_start3A_90 = tpu.memref_slice %arg2[%dma_start3A_89] : memref<100000xf32, #tpu.memory_space<hbm>> -> memref<100000xf32, #tpu.memory_space<hbm>>
          tpu.enqueue_indirect_dma source(%dma_start3A_90 : memref<100000xf32, #tpu.memory_space<hbm>>) target(%arg10 : memref<2000xf32, #tpu.memory_space<vmem>>) offsets(%arg8 : memref<2000xi32, #tpu.memory_space<vmem>>) semaphore(%arg26 : memref<!tpu.dma_semaphore, #tpu.memory_space<semaphore_mem>>)
          %dma_start3A_91 = arith.constant 0 : i32
          %dma_start3A_92 = tpu.memref_slice %arg3[%dma_start3A_91] : memref<100000xf32, #tpu.memory_space<hbm>> -> memref<100000xf32, #tpu.memory_space<hbm>>
          tpu.enqueue_indirect_dma source(%dma_start3A_92 : memref<100000xf32, #tpu.memory_space<hbm>>) target(%arg11 : memref<2000xf32, #tpu.memory_space<vmem>>) offsets(%arg8 : memref<2000xi32, #tpu.memory_space<vmem>>) semaphore(%arg26 : memref<!tpu.dma_semaphore, #tpu.memory_space<semaphore_mem>>)
          %dma_start3A_93 = arith.constant 0 : i32
          %dma_start3A_94 = tpu.memref_slice %arg4[%dma_start3A_93] : memref<100000xf32, #tpu.memory_space<hbm>> -> memref<100000xf32, #tpu.memory_space<hbm>>
          tpu.enqueue_indirect_dma source(%dma_start3A_94 : memref<100000xf32, #tpu.memory_space<hbm>>) target(%arg12 : memref<2000xf32, #tpu.memory_space<vmem>>) offsets(%arg8 : memref<2000xi32, #tpu.memory_space<vmem>>) semaphore(%arg26 : memref<!tpu.dma_semaphore, #tpu.memory_space<semaphore_mem>>)
          %dma_start3A_95 = arith.constant 0 : i32
          %dma_start3A_96 = tpu.memref_slice %arg2[%dma_start3A_95] : memref<100000xf32, #tpu.memory_space<hbm>> -> memref<100000xf32, #tpu.memory_space<hbm>>
          tpu.enqueue_indirect_dma source(%dma_start3A_96 : memref<100000xf32, #tpu.memory_space<hbm>>) target(%arg13 : memref<2000xf32, #tpu.memory_space<vmem>>) offsets(%arg9 : memref<2000xi32, #tpu.memory_space<vmem>>) semaphore(%arg26 : memref<!tpu.dma_semaphore, #tpu.memory_space<semaphore_mem>>)
          %dma_start3A_97 = arith.constant 0 : i32
          %dma_start3A_98 = tpu.memref_slice %arg3[%dma_start3A_97] : memref<100000xf32, #tpu.memory_space<hbm>> -> memref<100000xf32, #tpu.memory_space<hbm>>
          tpu.enqueue_indirect_dma source(%dma_start3A_98 : memref<100000xf32, #tpu.memory_space<hbm>>) target(%arg14 : memref<2000xf32, #tpu.memory_space<vmem>>) offsets(%arg9 : memref<2000xi32, #tpu.memory_space<vmem>>) semaphore(%arg26 : memref<!tpu.dma_semaphore, #tpu.memory_space<semaphore_mem>>)
          %dma_start3A_99 = arith.constant 0 : i32
          %dma_start3A_100 = tpu.memref_slice %arg4[%dma_start3A_99] : memref<100000xf32, #tpu.memory_space<hbm>> -> memref<100000xf32, #tpu.memory_space<hbm>>
          tpu.enqueue_indirect_dma source(%dma_start3A_100 : memref<100000xf32, #tpu.memory_space<hbm>>) target(%arg15 : memref<2000xf32, #tpu.memory_space<vmem>>) offsets(%arg9 : memref<2000xi32, #tpu.memory_space<vmem>>) semaphore(%arg26 : memref<!tpu.dma_semaphore, #tpu.memory_space<semaphore_mem>>)
        } else {
        }
        %dma_wait3A_45 = arith.constant 0 : i32
        %dma_wait3A_46 = tpu.memref_slice %arg2[%dma_wait3A_45] : memref<100000xf32, #tpu.memory_space<hbm>> -> memref<2000xf32, #tpu.memory_space<hbm>>
        %dma_wait3A_47 = arith.constant 0 : i32
        %dma_wait3A_48 = tpu.memref_slice %arg2[%dma_wait3A_47] : memref<100000xf32, #tpu.memory_space<hbm>> -> memref<2000xf32, #tpu.memory_space<hbm>>
        tpu.wait_dma2 semaphore(%arg27 : memref<!tpu.dma_semaphore, #tpu.memory_space<semaphore_mem>>) src(%dma_wait3A_48 : memref<2000xf32, #tpu.memory_space<hbm>>) dst(%arg19 : memref<2000xf32, #tpu.memory_space<vmem>>)
        %dma_wait3A_49 = arith.constant 0 : i32
        %dma_wait3A_50 = tpu.memref_slice %arg2[%dma_wait3A_49] : memref<100000xf32, #tpu.memory_space<hbm>> -> memref<2000xf32, #tpu.memory_space<hbm>>
        %dma_wait3A_51 = arith.constant 0 : i32
        %dma_wait3A_52 = tpu.memref_slice %arg2[%dma_wait3A_51] : memref<100000xf32, #tpu.memory_space<hbm>> -> memref<2000xf32, #tpu.memory_space<hbm>>
        tpu.wait_dma2 semaphore(%arg27 : memref<!tpu.dma_semaphore, #tpu.memory_space<semaphore_mem>>) src(%dma_wait3A_52 : memref<2000xf32, #tpu.memory_space<hbm>>) dst(%arg20 : memref<2000xf32, #tpu.memory_space<vmem>>)
        %dma_wait3A_53 = arith.constant 0 : i32
        %dma_wait3A_54 = tpu.memref_slice %arg2[%dma_wait3A_53] : memref<100000xf32, #tpu.memory_space<hbm>> -> memref<2000xf32, #tpu.memory_space<hbm>>
        %dma_wait3A_55 = arith.constant 0 : i32
        %dma_wait3A_56 = tpu.memref_slice %arg2[%dma_wait3A_55] : memref<100000xf32, #tpu.memory_space<hbm>> -> memref<2000xf32, #tpu.memory_space<hbm>>
        tpu.wait_dma2 semaphore(%arg27 : memref<!tpu.dma_semaphore, #tpu.memory_space<semaphore_mem>>) src(%dma_wait3A_56 : memref<2000xf32, #tpu.memory_space<hbm>>) dst(%arg21 : memref<2000xf32, #tpu.memory_space<vmem>>)
        %dma_wait3A_57 = arith.constant 0 : i32
        %dma_wait3A_58 = tpu.memref_slice %arg2[%dma_wait3A_57] : memref<100000xf32, #tpu.memory_space<hbm>> -> memref<2000xf32, #tpu.memory_space<hbm>>
        %dma_wait3A_59 = arith.constant 0 : i32
        %dma_wait3A_60 = tpu.memref_slice %arg2[%dma_wait3A_59] : memref<100000xf32, #tpu.memory_space<hbm>> -> memref<2000xf32, #tpu.memory_space<hbm>>
        tpu.wait_dma2 semaphore(%arg27 : memref<!tpu.dma_semaphore, #tpu.memory_space<semaphore_mem>>) src(%dma_wait3A_60 : memref<2000xf32, #tpu.memory_space<hbm>>) dst(%arg22 : memref<2000xf32, #tpu.memory_space<vmem>>)
        %dma_wait3A_61 = arith.constant 0 : i32
        %dma_wait3A_62 = tpu.memref_slice %arg2[%dma_wait3A_61] : memref<100000xf32, #tpu.memory_space<hbm>> -> memref<2000xf32, #tpu.memory_space<hbm>>
        %dma_wait3A_63 = arith.constant 0 : i32
        %dma_wait3A_64 = tpu.memref_slice %arg2[%dma_wait3A_63] : memref<100000xf32, #tpu.memory_space<hbm>> -> memref<2000xf32, #tpu.memory_space<hbm>>
        tpu.wait_dma2 semaphore(%arg27 : memref<!tpu.dma_semaphore, #tpu.memory_space<semaphore_mem>>) src(%dma_wait3A_64 : memref<2000xf32, #tpu.memory_space<hbm>>) dst(%arg23 : memref<2000xf32, #tpu.memory_space<vmem>>)
        %dma_wait3A_65 = arith.constant 0 : i32
        %dma_wait3A_66 = tpu.memref_slice %arg2[%dma_wait3A_65] : memref<100000xf32, #tpu.memory_space<hbm>> -> memref<2000xf32, #tpu.memory_space<hbm>>
        %dma_wait3A_67 = arith.constant 0 : i32
        %dma_wait3A_68 = tpu.memref_slice %arg2[%dma_wait3A_67] : memref<100000xf32, #tpu.memory_space<hbm>> -> memref<2000xf32, #tpu.memory_space<hbm>>
        tpu.wait_dma2 semaphore(%arg27 : memref<!tpu.dma_semaphore, #tpu.memory_space<semaphore_mem>>) src(%dma_wait3A_68 : memref<2000xf32, #tpu.memory_space<hbm>>) dst(%arg24 : memref<2000xf32, #tpu.memory_space<vmem>>)
        %ge3A = arith.constant 2 : i32
        %ge3A_69 = arith.cmpi sge, %scan3A_28, %ge3A : i32
        %convert_element_type3A_70 = arith.extui %ge3A_69 : i1 to i32
        %cond3A_71 = arith.constant 0 : i32
        %cond3A_72 = arith.cmpi ne, %convert_element_type3A_70, %cond3A_71 : i32
        scf.if %cond3A_72 {
          %dma_wait3A_84 = arith.constant 0 : i32
          %dma_wait3A_85 = tpu.memref_slice %arg7[%dma_wait3A_84] : memref<1600000xf32, #tpu.memory_space<hbm>> -> memref<2000xf32, #tpu.memory_space<hbm>>
          %dma_wait3A_86 = arith.constant 0 : i32
          %dma_wait3A_87 = tpu.memref_slice %arg7[%dma_wait3A_86] : memref<1600000xf32, #tpu.memory_space<hbm>> -> memref<2000xf32, #tpu.memory_space<hbm>>
          tpu.wait_dma2 semaphore(%arg29 : memref<!tpu.dma_semaphore, #tpu.memory_space<semaphore_mem>>) src(%arg25 : memref<2000xf32, #tpu.memory_space<vmem>>) dst(%dma_wait3A_87 : memref<2000xf32, #tpu.memory_space<hbm>>)
        } else {
        }
        %scan3A_73 = arith.constant 0 : i32
        %scan3A_74 = arith.constant 0 : i32
        %scan3A_75 = arith.constant 125 : i32
        %scan3A_76 = arith.addi %scan3A_74, %scan3A_75 : i32
        %scan3A_77 = arith.constant 1 : i32
        scf.for %scan3A_84 = %scan3A_74 to %scan3A_76 step %scan3A_77  : i32 {
          %mul3A_85 = arith.constant 16 : i32
          %mul3A_86 = arith.muli %scan3A_84, %mul3A_85 : i32
          %get3A = arith.index_cast %mul3A_86 : i32 to index
          %get3A_87 = tpu.vector_load %arg19[%get3A] {strides = array<i32>} : memref<2000xf32, #tpu.memory_space<vmem>>, vector<16xf32>,
          %get3A_88 = vector.shape_cast %get3A_87 : vector<16xf32> to vector<16xf32>
          %get3A_89 = arith.index_cast %mul3A_86 : i32 to index
          %get3A_90 = tpu.vector_load %arg22[%get3A_89] {strides = array<i32>} : memref<2000xf32, #tpu.memory_space<vmem>>, vector<16xf32>,
          %get3A_91 = vector.shape_cast %get3A_90 : vector<16xf32> to vector<16xf32>
          %sub3A = arith.subf %get3A_88, %get3A_91 : vector<16xf32>
          %get3A_92 = arith.index_cast %mul3A_86 : i32 to index
          %get3A_93 = tpu.vector_load %arg20[%get3A_92] {strides = array<i32>} : memref<2000xf32, #tpu.memory_space<vmem>>, vector<16xf32>,
          %get3A_94 = vector.shape_cast %get3A_93 : vector<16xf32> to vector<16xf32>
          %get3A_95 = arith.index_cast %mul3A_86 : i32 to index
          %get3A_96 = tpu.vector_load %arg23[%get3A_95] {strides = array<i32>} : memref<2000xf32, #tpu.memory_space<vmem>>, vector<16xf32>,
          %get3A_97 = vector.shape_cast %get3A_96 : vector<16xf32> to vector<16xf32>
          %sub3A_98 = arith.subf %get3A_94, %get3A_97 : vector<16xf32>
          %get3A_99 = arith.index_cast %mul3A_86 : i32 to index
          %get3A_100 = tpu.vector_load %arg21[%get3A_99] {strides = array<i32>} : memref<2000xf32, #tpu.memory_space<vmem>>, vector<16xf32>,
          %get3A_101 = vector.shape_cast %get3A_100 : vector<16xf32> to vector<16xf32>
          %get3A_102 = arith.index_cast %mul3A_86 : i32 to index
          %get3A_103 = tpu.vector_load %arg24[%get3A_102] {strides = array<i32>} : memref<2000xf32, #tpu.memory_space<vmem>>, vector<16xf32>,
          %get3A_104 = vector.shape_cast %get3A_103 : vector<16xf32> to vector<16xf32>
          %sub3A_105 = arith.subf %get3A_101, %get3A_104 : vector<16xf32>
          %mul3A_106 = arith.mulf %sub3A, %sub3A : vector<16xf32>
          %mul3A_107 = arith.mulf %sub3A_98, %sub3A_98 : vector<16xf32>
          %add3A_108 = arith.addf %mul3A_106, %mul3A_107 : vector<16xf32>
          %mul3A_109 = arith.mulf %sub3A_105, %sub3A_105 : vector<16xf32>
          %add3A_110 = arith.addf %add3A_108, %mul3A_109 : vector<16xf32>
          %swap3A = arith.index_cast %mul3A_86 : i32 to index
          %swap3A_111 = tpu.vector_load %arg25[%swap3A] {strides = array<i32>} : memref<2000xf32, #tpu.memory_space<vmem>>, vector<16xf32>,
          %swap3A_112 = vector.shape_cast %swap3A_111 : vector<16xf32> to vector<16xf32>
          %swap3A_113 = vector.shape_cast %add3A_110 : vector<16xf32> to vector<16xf32>
          tpu.vector_store %arg25[%swap3A], %swap3A_113 {strides = array<i32>} : memref<2000xf32, #tpu.memory_space<vmem>>, vector<16xf32>,
        }
        %scan3A_78 = arith.constant 125 : i32
        %mul3A_79 = arith.constant 2000 : i32
        %mul3A_80 = arith.muli %scan3A_28, %mul3A_79 : i32
        %add3A_81 = arith.addi %mul3A_2, %mul3A_80 : i32
        %dma_start3A_82 = tpu.memref_slice %arg7[%add3A_81] : memref<1600000xf32, #tpu.memory_space<hbm>> -> memref<2000xf32, #tpu.memory_space<hbm>>
        %dma_start3A_83 = tpu.memref_slice %arg7[%add3A_81] : memref<1600000xf32, #tpu.memory_space<hbm>> -> memref<2000xf32, #tpu.memory_space<hbm>>
        tpu.enqueue_dma source(%arg25 : memref<2000xf32, #tpu.memory_space<vmem>>) target(%dma_start3A_83 : memref<2000xf32, #tpu.memory_space<hbm>>) target_semaphore(%arg29 : memref<!tpu.dma_semaphore, #tpu.memory_space<semaphore_mem>>)
      } else {
      }
    }
    %scan3A_20 = arith.constant 25 : i32
    %dma_wait3A = arith.constant 0 : i32
    %dma_wait3A_21 = tpu.memref_slice %arg7[%dma_wait3A] : memref<1600000xf32, #tpu.memory_space<hbm>> -> memref<2000xf32, #tpu.memory_space<hbm>>
    %dma_wait3A_22 = arith.constant 0 : i32
    %dma_wait3A_23 = tpu.memref_slice %arg7[%dma_wait3A_22] : memref<1600000xf32, #tpu.memory_space<hbm>> -> memref<2000xf32, #tpu.memory_space<hbm>>
    tpu.wait_dma2 semaphore(%arg29 : memref<!tpu.dma_semaphore, #tpu.memory_space<semaphore_mem>>) src(%arg25 : memref<2000xf32, #tpu.memory_space<vmem>>) dst(%dma_wait3A_23 : memref<2000xf32, #tpu.memory_space<hbm>>)
    %dma_wait3A_24 = arith.constant 0 : i32
    %dma_wait3A_25 = tpu.memref_slice %arg7[%dma_wait3A_24] : memref<1600000xf32, #tpu.memory_space<hbm>> -> memref<2000xf32, #tpu.memory_space<hbm>>
    %dma_wait3A_26 = arith.constant 0 : i32
    %dma_wait3A_27 = tpu.memref_slice %arg7[%dma_wait3A_26] : memref<1600000xf32, #tpu.memory_space<hbm>> -> memref<2000xf32, #tpu.memory_space<hbm>>
    tpu.wait_dma2 semaphore(%arg28 : memref<!tpu.dma_semaphore, #tpu.memory_space<semaphore_mem>>) src(%arg16 : memref<2000xf32, #tpu.memory_space<vmem>>) dst(%dma_wait3A_27 : memref<2000xf32, #tpu.memory_space<hbm>>)
    return
  }
}

module attributes {stable_mosaic.version = 14 : i64} {
  func.func @_rbf_kernel(%arg0: i32, %arg1: memref<128x128xf32, #tpu.memory_space<vmem>>, %arg2: memref<2x128x8x128xf32, #tpu.memory_space<vmem>>) attributes {dimension_semantics = [#tpu.dimension_semantics<arbitrary>], iteration_bounds = array<i64: 98>, scalar_prefetch = 0 : i64, scratch_operands = 0 : i64, tpu.core_type = #tpu.core_type<tc>, window_params = [{transform_indices = @transform_0, window_bounds = array<i64: 128, 128>}, {transform_indices = @transform_1, window_bounds = array<i64: 2, 128, 8, 128>}]} {
    %get3A = arith.constant 0 : index
    %get3A_0 = arith.constant 0 : index
    %get3A_1 = vector.load %arg1[%get3A, %get3A_0] : memref<128x128xf32, #tpu.memory_space<vmem>>, vector<128x128xf32>
    %gt3A = arith.constant 9.99999996E-13 : f32
    %gt3A_2 = vector.broadcast %gt3A : f32 to vector<128x128xf32>
    %gt3A_3 = arith.cmpf ogt, %get3A_1, %gt3A_2 : vector<128x128xf32>
    %jit3A = arith.constant 1.000000e+00 : f32
    %broadcast_in_dim3A = vector.broadcast %jit3A : f32 to vector<128x128xf32>
    %select_n3A = arith.select %gt3A_3, %get3A_1, %broadcast_in_dim3A : vector<128x128xi1>, vector<128x128xf32>
    %sqrt3A = math.sqrt %select_n3A : vector<128x128xf32>
    %jit3A_4 = arith.constant 0.000000e+00 : f32
    %broadcast_in_dim3A_5 = vector.broadcast %jit3A_4 : f32 to vector<128x128xf32>
    %select_n3A_6 = arith.select %gt3A_3, %sqrt3A, %broadcast_in_dim3A_5 : vector<128x128xi1>, vector<128x128xf32>
    %broadcast_in_dim3A_7 = vector.shape_cast %select_n3A_6 : vector<128x128xf32> to vector<1x128x1x128xf32>
    %broadcast_in_dim3A_8 = vector.shape_cast %broadcast_in_dim3A_7 : vector<1x128x1x128xf32> to vector<1x128x1x128xf32>
    %broadcast_in_dim3A_9 = vector.broadcast %broadcast_in_dim3A_8 : vector<1x128x1x128xf32> to vector<2x128x8x128xf32>
    %iota3A = tpu.iota {dimensions = array<i32: 0>} : vector<2x128x8x128xi32>
    %mul3A = arith.constant 8 : i32
    %mul3A_10 = vector.broadcast %mul3A : i32 to vector<2x128x8x128xi32>
    %mul3A_11 = arith.muli %iota3A, %mul3A_10 : vector<2x128x8x128xi32>
    %iota3A_12 = tpu.iota {dimensions = array<i32: 2>} : vector<2x128x8x128xi32>
    %add3A = arith.addi %mul3A_11, %iota3A_12 : vector<2x128x8x128xi32>
    %convert_element_type3A = arith.sitofp %add3A : vector<2x128x8x128xi32> to vector<2x128x8x128xf32>
    %mul3A_13 = arith.constant 0.333333343 : f32
    %mul3A_14 = vector.broadcast %mul3A_13 : f32 to vector<2x128x8x128xf32>
    %mul3A_15 = arith.mulf %convert_element_type3A, %mul3A_14 : vector<2x128x8x128xf32>
    %sub3A = arith.subf %broadcast_in_dim3A_9, %mul3A_15 : vector<2x128x8x128xf32>
    %mul3A_16 = arith.mulf %sub3A, %sub3A : vector<2x128x8x128xf32>
    %mul3A_17 = arith.constant -1.000000e+01 : f32
    %mul3A_18 = vector.broadcast %mul3A_17 : f32 to vector<2x128x8x128xf32>
    %mul3A_19 = arith.mulf %mul3A_16, %mul3A_18 : vector<2x128x8x128xf32>
    %exp3A = math.exp %mul3A_19 : vector<2x128x8x128xf32>
    %swap3A = arith.constant 0 : index
    %swap3A_20 = arith.constant 0 : index
    %swap3A_21 = arith.constant 0 : index
    %swap3A_22 = arith.constant 0 : index
    %swap3A_23 = vector.load %arg2[%swap3A, %swap3A_20, %swap3A_21, %swap3A_22] : memref<2x128x8x128xf32, #tpu.memory_space<vmem>>, vector<2x128x8x128xf32>
    tpu.vector_store %arg2[%swap3A, %swap3A_20, %swap3A_21, %swap3A_22], %exp3A {strides = array<i32>} : memref<2x128x8x128xf32, #tpu.memory_space<vmem>>, vector<2x128x8x128xf32>,
    return
  }
  func.func @transform_0(%arg0: i32) -> (i32, i32) {
    %c0_i32 = arith.constant 0 : i32
    %c0_i32_0 = arith.constant 0 : i32
    return %arg0, %c0_i32 : i32, i32
  }
  func.func @transform_1(%arg0: i32) -> (i32, i32, i32, i32) {
    %c0_i32 = arith.constant 0 : i32
    %c0_i32_0 = arith.constant 0 : i32
    %c0_i32_1 = arith.constant 0 : i32
    %c0_i32_2 = arith.constant 0 : i32
    return %c0_i32, %arg0, %c0_i32_0, %c0_i32_1 : i32, i32, i32, i32
  }
}

</mosaic_0001>

<sc_bundles>
// kernel: kernel.4.cloned.1.call-start
scs
__scs_entry_jumppad:
0x0: {  	(pc) =	sbr.rel $0x88, $3  }
0x1: {  	(tag) =	ssettag $0x0;
	lr =	simm.s32 $0x1  }
0x2: {  	[smem:$0x3F9F] =	sst lr;
	_ =	strace $0xD0000000  }
0x3: {  	_ = 	snop  }
0x4: {  	_ = 	snop  }
0x5: {  	_ = 	snop  }
0x6: {  	_ = 	snop  }
0x7: {  	_ = 	snop  }
__scs_overlays_trampoline_lowered:
0x8: {  	[smem:$0x3FAE] =	sst s0  }
0x9: {  	[smem:$0x3FAF] =	sst s1  }
0xa: {  	[smem:$0x3FB0] =	sst s2  }
0xb: {  	[smem:$0x3FB1] =	sst s3  }
0xc: {  	[smem:$0x3FB2] =	sst s4  }
0xd: {  	[smem:$0x3FB3] =	sst s5  }
0xe: {  	[smem:$0x3FB4] =	sst s6  }
0xf: {  	[smem:$0x3FB5] =	sst s7  }
0x10: {  	[smem:$0x3FB6] =	sst s8  }
0x11: {  	[smem:$0x3FB7] =	sst s9;
	s0 =	simm.s32 @!p0 $0x0  }
0x12: {  	s1 =	sld [smem:$0x3F9D];
	s0 =	simm.s32 @p0 $0x1  }
0x13: {  	[smem:$0x3FB8] =	sst s0;
	s0 =	simm.s32 @!p1 $0x0  }
0x14: {  	s2 =	sld [smem:$0x3F9C];
	s0 =	simm.s32 @p1 $0x1  }
0x15: {  	[smem:$0x3FB9] =	sst s0;
	s0 =	simm.s32 @!p2 $0x0  }
0x16: {  	s3 =	sld [smem:$0x3FDB];
	s0 =	simm.s32 @p2 $0x1  }
0x17: {  	s4 =	simm.s32 $0x1BF5;
	[smem:$0x3FBB] =	sst s0  }
0x18: {  	s0 =	sld [smem:$0x3F9E];
	_ =	swait.ge [sflag:s4], $0x0  }
0x19: {  	s7 =	sld [smem:$0x3F9F]  }
0x1a: {  	s8 =	sadd.s32 $0xFFFFE003, lr  }
0x1b: {  	s9 =	sadd.s32 $0xFFFFFEF7, lr;
	s5 =	simm.s32 $0xFFFFFFFF;
	p2 =	slt.u32 s8, $0xFFFFF086  }
0x1c: {  	p1 =	slt.u32 s9, $0xF7A;
	s5 =	simm.s32 @!p2 $0x0  }
0x1d: {  	s5 =	simm.s32 @p1 $0x1;
	p0 =	seq.s32 s7, s2  }
0x1e: {  	s7 =	smul.u32 @!p0 $0xF7A, s2;
	p2 =	seq.s32 @!p0 s5, $0x0  }
0x1f: {  	s9 =	smul.u32 $0xF7A, s1;
	s8 =	simm.s32 @!p0 $0x1BF5;
	p2 =	por !p2, p0  }
0x20: {  	[sflag:s8] =	ssyncset.s32 @!p0 $0xFFFFF086;
	s6 =	sadd.s32 @!p0 s3, s7;
	s7 =	simm.s32 @!p0 $0x108  }
0x21: {  	s3 =	sadd.s32 s3, s9;
	s6 =	sadd.s32 @!p0 $0x88, s6;
	s7 =	simm.s32 @p2 $0x1082  }
0x22: {  	[simem:s7], [sflag:s8] =	dma.local @!p0 [hbm:s6], $0xF7A  }
0x23: {  	s9 =	sor.u32 $0xD0000000, s2;
	s6 =	simm.s32 $0x108;
	_ =	swait.ge @!p0 [sflag:s8], $0x0  }
0x24: {  	s3 =	sadd.s32 $0x88, s3;
	s6 =	simm.s32 @!p1 $0x1082;
	[sflag:s4] =	ssyncset.s32 $0xFFFFF086  }
0x25: {  	[simem:s6], [sflag:s4] =	dma.local [hbm:s3], $0xF7A  }
0x26: {  	[smem:$0x3F9F] =	sst s1;
	(tag) =	ssettag s2;
	_ =	strace s9  }
0x27: {  	s1 =	sld [smem:$0x3FAF]  }
0x28: {  	s2 =	sld [smem:$0x3FB0]  }
0x29: {  	s4 =	sld [smem:$0x3FB2]  }
0x2a: {  	p0 =	seq.s32 s5, $0x0;
	s5 =	sld [smem:$0x3FB3]  }
0x2b: {  	s6 =	sld [smem:$0x3FB4]  }
0x2c: {  	s7 =	sld [smem:$0x3FB5]  }
0x2d: {  	s3 =	simm.s32 $0x108;
	s8 =	sld [smem:$0x3FB6]  }
0x2e: {  	s3 =	simm.s32 @!p0 $0x1082;
	s9 =	sld [smem:$0x3FB7]  }
0x2f: {  	lr =	sadd.s32 s0, s3;
	s0 =	sld [smem:$0x3FAE]  }
0x30: {  	s3 =	sld [smem:$0x3FB1]  }
0x31: {  	[smem:$0x3FBA] =	sst s10  }
0x32: {  	s10 =	sld [smem:$0x3FB8];
	_ =	sdelay $0x3  }
0x33: {  	p0 =	seq.s32 s10, $0x1;
	s10 =	sld [smem:$0x3FBA];
	_ =	sdelay $0x3  }
0x34: {  	[smem:$0x3FBA] =	sst s10  }
0x35: {  	s10 =	sld [smem:$0x3FB9];
	_ =	sdelay $0x3  }
0x36: {  	p1 =	seq.s32 s10, $0x1;
	s10 =	sld [smem:$0x3FBA];
	_ =	sdelay $0x3  }
0x37: {  	[smem:$0x3FBA] =	sst s10  }
0x38: {  	s10 =	sld [smem:$0x3FBB]  }
0x39: {  	_ = 	snop;
	(pc) =	sbr.ind lr, $3  }
0x3a: {  	_ = 	snop  }
0x3b: {  	_ = 	snop  }
0x3c: {  	p2 =	seq.s32 s10, $0x1;
	s10 =	sld [smem:$0x3FBA]  }
0x3d: {  	_ =	shalt  }
0x3e: {  	_ =	shalt  }
0x3f: {  	_ =	shalt  }
0x40: {  	_ =	shalt  }
0x41: {  	_ =	shalt  }
0x42: {  	_ =	shalt  }
0x43: {  	_ =	shalt  }
0x44: {  	_ =	shalt  }
0x45: {  	_ =	shalt  }
0x46: {  	_ =	shalt  }
0x47: {  	_ =	shalt  }
0x48: {  	_ =	shalt  }
0x49: {  	_ =	shalt  }
0x4a: {  	_ =	shalt  }
0x4b: {  	_ =	shalt  }
0x4c: {  	_ =	shalt  }
0x4d: {  	_ =	shalt  }
0x4e: {  	_ =	shalt  }
0x4f: {  	_ =	shalt  }
0x50: {  	_ =	shalt  }
0x51: {  	_ =	shalt  }
0x52: {  	_ =	shalt  }
0x53: {  	_ =	shalt  }
0x54: {  	_ =	shalt  }
0x55: {  	_ =	shalt  }
0x56: {  	_ =	shalt  }
0x57: {  	_ =	shalt  }
0x58: {  	_ =	shalt  }
0x59: {  	_ =	shalt  }
0x5a: {  	_ =	shalt  }
0x5b: {  	_ =	shalt  }
0x5c: {  	_ =	shalt  }
0x5d: {  	_ =	shalt  }
0x5e: {  	_ =	shalt  }
0x5f: {  	_ =	shalt  }
0x60: {  	_ =	shalt  }
0x61: {  	_ =	shalt  }
0x62: {  	_ =	shalt  }
0x63: {  	_ =	shalt  }
0x64: {  	_ =	shalt  }
0x65: {  	_ =	shalt  }
0x66: {  	_ =	shalt  }
0x67: {  	_ =	shalt  }
0x68: {  	_ =	shalt  }
0x69: {  	_ =	shalt  }
0x6a: {  	_ =	shalt  }
0x6b: {  	_ =	shalt  }
0x6c: {  	_ =	shalt  }
0x6d: {  	_ =	shalt  }
0x6e: {  	_ =	shalt  }
0x6f: {  	_ =	shalt  }
0x70: {  	_ =	shalt  }
0x71: {  	_ =	shalt  }
0x72: {  	_ =	shalt  }
0x73: {  	_ =	shalt  }
0x74: {  	_ =	shalt  }
0x75: {  	_ =	shalt  }
0x76: {  	_ =	shalt  }
0x77: {  	_ =	shalt  }
0x78: {  	_ =	shalt  }
0x79: {  	_ =	shalt  }
0x7a: {  	_ =	shalt  }
0x7b: {  	_ =	shalt  }
0x7c: {  	_ =	shalt  }
0x7d: {  	_ =	shalt  }
0x7e: {  	_ =	shalt  }
0x7f: {  	_ =	shalt  }
0x80: {  	_ =	shalt  }
0x81: {  	_ =	shalt  }
0x82: {  	_ =	shalt  }
0x83: {  	_ =	shalt  }
0x84: {  	_ =	shalt  }
0x85: {  	_ =	shalt  }
0x86: {  	_ =	shalt  }
0x87: {  	_ =	shalt  }
.Lfunc_end0:
.L_simem_size_0:
called_computation_lowered:
.L_overlay_start_0:
0x88: {  	s2 =	sld [smem:$0x3FD9]  }
0x89: {  	s3 =	sld [smem:$0x3FFE];
	_ =	sdelay $0x1  }
0x8a: {  	s1 =	srdreg.scid  }
0x8b: {  	s0 =	sand.u32 $0x1, s1  }
0x8c: {  	s17 =	sshll.u32 s0, $0xA;
	s2 =	sadd.s32 s3, s2  }
0x8d: {  	s2 =	sadd.s32 s2, s17  }
0x8e: {  	[smem:$0x3FC6] =	sst s2  }
0x8f: {  	_ = 	snop  }
0x90: {  	s2 =	sld [smem:$0x3FD0];
	(tm) =	ssettm $0x1  }
0x91: {  	s18 =	sld [smem:$0x3FFB];
	_ =	sdelay $0x3  }
0x92: {  	_ =	strace s18  }
0x93: {  	s3 =	sld [smem:$0x3FFC];
	_ =	sdelay $0x3  }
0x94: {  	_ =	strace s3  }
0x95: {  	s3 =	sld [smem:$0x3FFD];
	_ =	sdelay $0x3  }
0x96: {  	_ =	strace s3  }
0x97: {  	_ =	strace $0x8FFFFFFF  }
0x98: {  	s19 =	sld [smem:$0x3FDB];
	_ =	sdelay $0x1  }
0x99: {  	s4 =	simm.s32 $_scs_section_size  }
0x9a: {  	s5 =	simm.s32 $_size__tile_overlayer_lowered;
	s6 =	simm.s32 $_tile_overlayer_lowered  }
0x9b: {  	s22 =	simm.s32 $0x1BFF;
	s21 =	sshll.u32 s6, $0x1;
	s3 =	sadd.s32 s4, s19  }
0x9c: {  	s7 =	simm.s32 $0x0;
	s20 =	sshll.u32 s5, $0x1;
	s5 =	sadd.s32 s21, s3  }
0x9d: {  	[timem:s7], [sflag:s22] =	dma.local [hbm:s5], s20  }
0x9e: {  	_ =	swait.ge [sflag:s22], s20  }
0x9f: {  	s4 =	ssub.s32 $0x0, s20;
	[sflag:s22] =	ssyncset.done $0x0  }
0xa0: {  	[sflag:s22] =	ssyncadd.s32 s4;
	_ =	sdelay $0x1  }
0xa1: {  	s23 =	simm.s32 $0x1B8B  }
0xa2: {  	_ =	swait.ge [sflag:s23], $0x1  }
0xa3: {  	[sflag:s23] =	ssyncset.done $0x0  }
0xa4: {  	s25 =	simm.s32 $0x1B8E;
	s24 =	sld [smem:$0x3FFE];
	[sflag:s23] =	ssyncadd.s32 $0xFFFFFFFF  }
0xa5: {  	s26 =	simm.s32 $execute0_lowered;
	[smem:$0x3FD2] =	sst s25  }
0xa6: {  	s5 =	sshll.u32 s26, $0x1;
	_ =	strace $0x80000046;
	[dreg:$0x1] =	wrdreg $0xFFFFFFFF  }
0xa7: {  	s28 =	simm.s32 $_size_execute0_lowered;
	s3 =	sadd.s32 s3, s5;
	[dreg:$0x0] =	wrdreg $0x0  }
0xa8: {  	s5 =	sshll.u32 s28, $0x1;
	[dreg:$0x2] =	wrdreg s3  }
0xa9: {  	[dreg:$0x3] =	wrdreg s5  }
0xaa: {  	[dreg:$0x4] =	wrdreg $0xC0  }
0xab: {  	_ =	task [dreg:s7], $0x5FFFF  }
0xac: {  	[dreg:$0x1] =	wrdreg $0xFFFFFFFF  }
0xad: {  	[dreg:$0x0] =	wrdreg $0x60  }
0xae: {  	[dreg:$0x2] =	wrdreg s24  }
0xaf: {  	[dreg:$0x3] =	wrdreg s2  }
0xb0: {  	[dreg:$0x4] =	wrdreg $0x9  }
0xb1: {  	_ =	task.clear_ibuf [dreg:s7], $0x5FFFF;
	_ =	strace $0x90000046  }
0xb2: {  	s29 =	simm.s32 $0x9;
	_ =	strace $0x80000048  }
0xb3: {  	_ =	swait.ge [sflag:s29], $0x1  }
0xb4: {  	[sflag:s29] =	ssyncadd.s32 $0xFFFFFFFF  }
0xb5: {  	_ =	strace $0x90000048  }
0xb6: {  	_ =	sfence  }
0xb7: {  	s30 =	sld [smem:$0x0];
	_ =	sdelay $0x2  }
0xb8: {  	s31 =	sshll.u32 s1, $0xD;
	s1 =	sshrl.u32 s1, $0x2  }
0xb9: {  	s3 =	sand.u32 $0x4000, s31;
	s1 =	sadd.s32 s1, s30  }
0xba: {  	s0 =	sor.u32 s3, s0;
	s1 =	sshll.u32 s1, $0x11  }
0xbb: {  	s0 =	sor.u32 s1, s0  }
0xbc: {  	s0 =	sadd.s32 $0x8F2B, s0  }
0xbd: {  	[sflag:s0] =	ssyncadd.remote.s32 $0x1  }
0xbe: {  	_ =	sfence.sel $0xFFFF  }
0xbf: {  	[dreg:$0x0] =	wrdreg $0xFFFFFFFF;
	(pc) =	sbr.abs _section_cstart, $3  }
0xc0: {  	[dreg:$0x1] =	wrdreg $0xFFFFFFFF  }
0xc1: {  	_ =	task.clear_ibuf [dreg:s7], $0x2FFFF;
	_ =	strace $0x9FFFFFFF  }
0xc2: {  	(tm) =	ssettm $0x7FFFFFFF  }
0xc3: {  	_ =	shalt  }
tec
execute0_lowered:
.L_overlay_start_1:
0x0: {  	(tag) =	ssettag $0x1  }
0x1: {  	s2 =	rddreg [dreg:$0x0]  }
0x2: {  	s3 =	rddreg [dreg:$0x1];
	s0 =	srdreg.scid  }
0x3: {  	s1 =	stileid.u32;
	s4 =	simm.s32 $0x0;
	s14 =	simm.s32 $0x5  }
0x4: {  	s15 =	simm.s32 $0x800;
	s16 =	simm.s32 $0x7D0;
	s21 =	simm.s32 $0x3000  }
0x5: {  	s22 =	simm.s32 $0x3800;
	s23 =	simm.s32 $0x2;
	s24 =	simm.s32 $0x8800  }
0x6: {  	s25 =	simm.s32 $0x4;
	s26 =	simm.s32 $0x3;
	s28 =	simm.s32 $0x1  }
0x7: {  	s29 =	simm.s32 $0x4000;
	s30 =	simm.s32 $0x0;
	s0 =	sand.u32 $0x1, s0  }
0x8: {  	s1 =	sshll.u32 s1, $0x1;
	[smem:$0x7FF] =	sst s4;
	s5 =	sadd.s32 $0x6400, s2  }
.Ltmp0:
0x9: {  	s7 =	sadd.s32 $0x3200, s2;
	s1 =	sor.u32 s0, s1;
	(pc) =	sbr.rel .LBB2_1-.Ltmp0, $4  }
0xa: {  	s8 =	sadd.s32 $0x9600, s2;
	s0 =	ssub.s32 $0x2, s0;
	s6 =	smul.u32 $0xC350, s1  }
0xb: {  	s9 =	sadd.s32 $0x3A400, s2;
	_ =	strace $0x80000047;
	s31 =	sshrl.u32 s0, $0x1  }
0xc: {  	s0 =	ssub.s32 s0, s31;
	s11 =	sshrl.u32 s6, $0x3;
	s12 =	sadd.s32 $0x7D0, s6  }
0xd: {  	s13 =	smax.u32 s0, $0x1;
	s10 =	sadd.s32 s8, s11;
	s11 =	sadd.s32 s3, s11  }
.LBB2_10:
0xe: {  	s30 =	sadd.s32 $0x1, s30  }
0xf: {  	_ =	swait.ge [sflag:s25], $0x7D0;
	p0 =	sne.s32 s30, s13  }
.Ltmp1:
0x10: {  	[sflag:s25] =	ssyncset.done $0x0;
	(pc) =	sbr.rel @!p0 .LBB2_11-.Ltmp1, $4  }
0x11: {  	[sflag:s25] =	ssyncadd.s32 $0xFFFFF830  }
0x12: {  	_ =	swait.ge [sflag:s26], $0x7D0  }
0x13: {  	[sflag:s26] =	ssyncset.done $0x0  }
0x14: {  	[sflag:s26] =	ssyncadd.s32 $0xFFFFF830  }
.LBB2_1:
0x15: {  	[tilespmem:s4], [sflag:$0x5] =	stream.linear.gather [hbm4b:s10+s4], $0x7D0, $0x38;
	[tilespmem:$0x9000] =	vst v63  }
0x16: {  	_ =	swait.ge [sflag:s14], $0x7D0  }
0x17: {  	[sflag:s14] =	ssyncset.done $0x0  }
0x18: {  	[sflag:s14] =	ssyncadd.s32 $0xFFFFF830  }
0x19: {  	[tilespmem:s15], [sflag:$0x5] =	stream.linear.gather [hbm4b:s11+s4], $0x7D0, $0x38;
	[tilespmem:$0x9000] =	vst v63  }
0x1a: {  	_ =	swait.ge [sflag:s14], $0x7D0  }
0x1b: {  	[sflag:s14] =	ssyncset.done $0x0  }
0x1c: {  	s0 =	simm.s32 $0x1000;
	[sflag:s14] =	ssyncadd.s32 $0xFFFFF830  }
0x1d: {  	[tilespmem:s0], [sflag:$0x1] =	stream.indirect.gather [hbm4b:s5+s16], $0x1, s4, s16, $0xb8;
	[tilespmem:$0x9000] =	vst v63  }
0x1e: {  	s18 =	simm.s32 $0x1800  }
0x1f: {  	[tilespmem:s18], [sflag:$0x1] =	stream.indirect.gather [hbm4b:s7+s16], $0x1, s4, s16, $0xb8;
	[tilespmem:$0x9000] =	vst v63  }
0x20: {  	s19 =	simm.s32 $0x2000  }
0x21: {  	[tilespmem:s19], [sflag:$0x1] =	stream.indirect.gather [hbm4b:s2+s16], $0x1, s4, s16, $0xb8;
	[tilespmem:$0x9000] =	vst v63  }
0x22: {  	s20 =	simm.s32 $0x2800  }
0x23: {  	[tilespmem:s20], [sflag:$0x1] =	stream.indirect.gather [hbm4b:s5+s16], $0x1, s15, s16, $0xb8;
	[tilespmem:$0x9000] =	vst v63  }
.Ltmp2:
0x24: {  	_ = 	snop;
	(pc) =	sbr.rel .LBB2_2-.Ltmp2, $4  }
0x25: {  	_ = 	snop  }
0x26: {  	[tilespmem:s21], [sflag:$0x1] =	stream.indirect.gather [hbm4b:s7+s16], $0x1, s15, s16, $0xb8;
	[tilespmem:$0x9000] =	vst v63  }
0x27: {  	s31 =	simm.s32 $0x0  }
0x28: {  	[tilespmem:s22], [sflag:$0x1] =	stream.indirect.gather [hbm4b:s2+s16], $0x1, s15, s16, $0xb8;
	[tilespmem:$0x9000] =	vst v63  }
.LBB2_9:
0x29: {  	s31 =	sadd.s32 $0x1, s31  }
0x2a: {  	p0 =	sne.s32 s31, $0x19  }
.Ltmp3:
0x2b: {  	_ = 	snop;
	(pc) =	sbr.rel @!p0 .LBB2_10-.Ltmp3, $1  }
0x2c: {  	_ =	sdelay $0x3  }
.LBB2_2:
0x2d: {  	s0 =	sand.u32 $0x1, s31  }
0x2e: {  	p0 =	seq.s32 s0, $0x1  }
.Ltmp4:
0x2f: {  	_ = 	snop;
	(pc) =	sbr.rel @p0 .LBB2_6-.Ltmp4, $1  }
0x30: {  	_ =	sdelay $0x3  }
0x31: {  	p0 =	seq.s32 s31, $0x18  }
0x32: {  	s1 =	smul.u32 @!p0 $0x7D0, s31;
	_ =	sdelay $0x1  }
0x33: {  	s1 =	sadd.s32 @!p0 s1, s12  }
0x34: {  	s1 =	sshrl.u32 @!p0 s1, $0x3  }
0x35: {  	s18 =	simm.s32 @!p0 $0x0;
	s19 =	simm.s32 @!p0 $0x4800;
	s17 =	sadd.s32 @!p0 s8, s1  }
0x36: {  	[tilespmem:s19], [sflag:$0x5] =	stream.linear.gather @!p0 [hbm4b:s17+s18], $0x7D0, $0x38;
	[tilespmem:$0x9000] =	vst v63  }
0x37: {  	s17 =	simm.s32 @!p0 $0x5  }
0x38: {  	_ =	swait.ge @!p0 [sflag:s17], $0x7D0  }
0x39: {  	[sflag:s17] =	ssyncset.done @!p0 $0x0  }
0x3a: {  	s20 =	simm.s32 @!p0 $0x5000;
	s1 =	sadd.s32 @!p0 s3, s1;
	[sflag:s17] =	ssyncadd.s32 @!p0 $0xFFFFF830  }
0x3b: {  	[tilespmem:s20], [sflag:$0x5] =	stream.linear.gather @!p0 [hbm4b:s1+s18], $0x7D0, $0x38;
	[tilespmem:$0x9000] =	vst v63  }
0x3c: {  	_ =	swait.ge @!p0 [sflag:s17], $0x7D0  }
0x3d: {  	[sflag:s17] =	ssyncset.done @!p0 $0x0  }
0x3e: {  	s1 =	simm.s32 @!p0 $0x7D0;
	[sflag:s17] =	ssyncadd.s32 @!p0 $0xFFFFF830;
	s17 =	simm.s32 @!p0 $0x5800  }
0x3f: {  	[tilespmem:s17], [sflag:$0x2] =	stream.indirect.gather @!p0 [hbm4b:s5+s1], $0x1, s19, s1, $0xb8;
	[tilespmem:$0x9000] =	vst v63  }
0x40: {  	s17 =	simm.s32 @!p0 $0x6000  }
0x41: {  	[tilespmem:s17], [sflag:$0x2] =	stream.indirect.gather @!p0 [hbm4b:s7+s1], $0x1, s19, s1, $0xb8;
	[tilespmem:$0x9000] =	vst v63  }
0x42: {  	s17 =	simm.s32 @!p0 $0x6800  }
0x43: {  	[tilespmem:s17], [sflag:$0x2] =	stream.indirect.gather @!p0 [hbm4b:s2+s1], $0x1, s19, s1, $0xb8;
	[tilespmem:$0x9000] =	vst v63  }
0x44: {  	s17 =	simm.s32 @!p0 $0x7000  }
0x45: {  	[tilespmem:s17], [sflag:$0x2] =	stream.indirect.gather @!p0 [hbm4b:s5+s1], $0x1, s20, s1, $0xb8;
	[tilespmem:$0x9000] =	vst v63  }
0x46: {  	s17 =	simm.s32 @!p0 $0x7800  }
0x47: {  	[tilespmem:s17], [sflag:$0x2] =	stream.indirect.gather @!p0 [hbm4b:s7+s1], $0x1, s20, s1, $0xb8;
	[tilespmem:$0x9000] =	vst v63  }
0x48: {  	s17 =	simm.s32 @!p0 $0x8000  }
0x49: {  	[tilespmem:s17], [sflag:$0x2] =	stream.indirect.gather @!p0 [hbm4b:s2+s1], $0x1, s20, s1, $0xb8;
	[tilespmem:$0x9000] =	vst v63  }
0x4a: {  	_ =	swait.ge [sflag:s28], $0x7D0  }
0x4b: {  	[sflag:s28] =	ssyncset.done $0x0  }
0x4c: {  	[sflag:s28] =	ssyncadd.s32 $0xFFFFF830  }
0x4d: {  	_ =	swait.ge [sflag:s28], $0x7D0  }
0x4e: {  	[sflag:s28] =	ssyncset.done $0x0  }
0x4f: {  	[sflag:s28] =	ssyncadd.s32 $0xFFFFF830  }
0x50: {  	_ =	swait.ge [sflag:s28], $0x7D0  }
0x51: {  	[sflag:s28] =	ssyncset.done $0x0  }
0x52: {  	[sflag:s28] =	ssyncadd.s32 $0xFFFFF830  }
0x53: {  	_ =	swait.ge [sflag:s28], $0x7D0  }
0x54: {  	[sflag:s28] =	ssyncset.done $0x0  }
0x55: {  	[sflag:s28] =	ssyncadd.s32 $0xFFFFF830  }
0x56: {  	_ =	swait.ge [sflag:s28], $0x7D0  }
0x57: {  	[sflag:s28] =	ssyncset.done $0x0  }
0x58: {  	[sflag:s28] =	ssyncadd.s32 $0xFFFFF830  }
0x59: {  	_ =	swait.ge [sflag:s28], $0x7D0  }
0x5a: {  	p0 =	slt.u32 s31, $0x2;
	[sflag:s28] =	ssyncset.done $0x0  }
0x5b: {  	s1 =	simm.s32 @!p0 $0x3;
	[sflag:s28] =	ssyncadd.s32 $0xFFFFF830  }
0x5c: {  	_ =	swait.ge @!p0 [sflag:s1], $0x7D0  }
0x5d: {  	[sflag:s1] =	ssyncset.done @!p0 $0x0  }
0x5e: {  	[sflag:s1] =	ssyncadd.s32 @!p0 $0xFFFFF830;
	s1 =	simm.s32 $0x0  }
0x5f: {  	v2 =	vld [tilespmem:s1+$0x1000]  }
0x60: {  	v3 =	vld [tilespmem:s1+$0x2800]  }
0x61: {  	v4 =	vld [tilespmem:s1+$0x1800]  }
0x62: {  	v5 =	vld [tilespmem:s1+$0x3000]  }
0x63: {  	v6 =	vld [tilespmem:s1+$0x2000]  }
0x64: {  	s17 =	simm.s32 $0x10;
	v7 =	vld [tilespmem:s1+$0x3800]  }
0x65: {  	v0 =	vld [tilespmem:s17+$0x1000]  }
0x66: {  	v1 =	vld [tilespmem:s17+$0x2800]  }
0x67: {  	v8 =	vsub.f32 v2, v3;
	v2 =	vld [tilespmem:s17+$0x1800];
	v9 =	vsub.f32 v4, v5  }
0x68: {  	v4 =	vld [tilespmem:s17+$0x3000]  }
0x69: {  	s18 =	simm.s32 $0x80;
	v3 =	vld [tilespmem:s17+$0x2000];
	v5 =	vsub.f32 v6, v7;
	v6 =	vmul.f32 v8, v8;
	v7 =	vmul.f32 v9, v9  }
.LBB2_4:
0x6a: {  	s19 =	sshra.s32 s18, $0x2;
	v8 =	vld [tilespmem:s17+$0x3800];
	v9 =	vmov v0;
	p0 =	sne.s32 s18, $0x1F00  }
.Ltmp5:
0x6b: {  	v0 =	vld [tilespmem:s19+$0x1000];
	v6 =	vadd.f32 v7, v6;
	v5 =	vmul.f32 v5, v5;
	(pc) =	sbr.rel @p0 .LBB2_4-.Ltmp5, $4  }
0x6c: {  	v7 =	vsub.f32 v9, v1;
	v1 =	vld [tilespmem:s19+$0x2800]  }
0x6d: {  	s18 =	sadd.s32 $0x40, s18;
	v9 =	vsub.f32 v2, v4;
	v2 =	vld [tilespmem:s19+$0x1800];
	v10 =	vadd.f32 v5, v6  }
0x6e: {  	v4 =	vld [tilespmem:s19+$0x3000]  }
0x6f: {  	v6 =	vmul.f32 v7, v7;
	v5 =	vsub.f32 v3, v8;
	v3 =	vld [tilespmem:s19+$0x2000];
	v7 =	vmul.f32 v9, v9;
	[tilespmem:s1+$0x4000] =	vst v10;
	s1 =	smov.u32 s17;
	s17 =	smov.u32 s19  }
0x70: {  	v8 =	vld [tilespmem:s17+$0x3800];
	_ =	sdelay $0x2  }
0x71: {  	v0 =	vsub.f32 v0, v1;
	v58 =	vsub.f32 v2, v4;
	_ =	sdelay $0x1  }
0x72: {  	v0 =	vmul.f32 v0, v0;
	v59 =	vsub.f32 v3, v8;
	v1 =	vmul.f32 v58, v58  }
0x73: {  	v60 =	vadd.f32 v7, v6;
	v61 =	vmul.f32 v5, v5  }
0x74: {  	s18 =	smul.u32 $0x7D0, s31;
	p0 =	seq.s32 s0, $0x0;
	v0 =	vadd.f32 v1, v0;
	v62 =	vmul.f32 v59, v59  }
.Ltmp6:
0x75: {  	v63 =	vadd.f32 v61, v60;
	(pc) =	sbr.rel @p0 .LBB2_9-.Ltmp6, $4  }
0x76: {  	s18 =	sadd.s32 s6, s18;
	v0 =	vadd.f32 v62, v0  }
0x77: {  	s20 =	sshrl.u32 s18, $0x3;
	[tilespmem:s1+$0x4000] =	vst v63  }
0x78: {  	s1 =	sadd.s32 s9, s20;
	[tilespmem:s17+$0x4000] =	vst v0  }
0x79: {  	[hbm4b:s1+s4] =	stream.linear.scatter [tilespmem:s29], [sflag:$0x3], $0x7D0, $0x38;
	[tilespmem:$0x9000] =	vst v63  }
.LBB2_6:
0x7a: {  	p0 =	seq.s32 s31, $0x18  }
0x7b: {  	s0 =	smul.u32 @!p0 $0x7D0, s31;
	_ =	sdelay $0x1  }
0x7c: {  	s0 =	sadd.s32 @!p0 s0, s12  }
0x7d: {  	s0 =	sshrl.u32 @!p0 s0, $0x3  }
0x7e: {  	s17 =	simm.s32 @!p0 $0x0;
	s1 =	sadd.s32 @!p0 s8, s0  }
0x7f: {  	[tilespmem:s17], [sflag:$0x5] =	stream.linear.gather @!p0 [hbm4b:s1+s17], $0x7D0, $0x38;
	[tilespmem:$0x9000] =	vst v63  }
0x80: {  	s1 =	simm.s32 @!p0 $0x5  }
0x81: {  	_ =	swait.ge @!p0 [sflag:s1], $0x7D0  }
0x82: {  	[sflag:s1] =	ssyncset.done @!p0 $0x0  }
0x83: {  	s18 =	simm.s32 @!p0 $0x800;
	s0 =	sadd.s32 @!p0 s3, s0;
	[sflag:s1] =	ssyncadd.s32 @!p0 $0xFFFFF830  }
0x84: {  	[tilespmem:s18], [sflag:$0x5] =	stream.linear.gather @!p0 [hbm4b:s0+s17], $0x7D0, $0x38;
	[tilespmem:$0x9000] =	vst v63  }
0x85: {  	_ =	swait.ge @!p0 [sflag:s1], $0x7D0  }
0x86: {  	[sflag:s1] =	ssyncset.done @!p0 $0x0  }
0x87: {  	s0 =	simm.s32 @!p0 $0x7D0;
	[sflag:s1] =	ssyncadd.s32 @!p0 $0xFFFFF830;
	s1 =	simm.s32 @!p0 $0x1000  }
0x88: {  	[tilespmem:s1], [sflag:$0x1] =	stream.indirect.gather @!p0 [hbm4b:s5+s0], $0x1, s17, s0, $0xb8;
	[tilespmem:$0x9000] =	vst v63  }
0x89: {  	s1 =	simm.s32 @!p0 $0x1800  }
0x8a: {  	[tilespmem:s1], [sflag:$0x1] =	stream.indirect.gather @!p0 [hbm4b:s7+s0], $0x1, s17, s0, $0xb8;
	[tilespmem:$0x9000] =	vst v63  }
0x8b: {  	s1 =	simm.s32 @!p0 $0x2000  }
0x8c: {  	[tilespmem:s1], [sflag:$0x1] =	stream.indirect.gather @!p0 [hbm4b:s2+s0], $0x1, s17, s0, $0xb8;
	[tilespmem:$0x9000] =	vst v63  }
0x8d: {  	s1 =	simm.s32 @!p0 $0x2800  }
0x8e: {  	[tilespmem:s1], [sflag:$0x1] =	stream.indirect.gather @!p0 [hbm4b:s5+s0], $0x1, s18, s0, $0xb8;
	[tilespmem:$0x9000] =	vst v63  }
0x8f: {  	s1 =	simm.s32 @!p0 $0x3000  }
0x90: {  	[tilespmem:s1], [sflag:$0x1] =	stream.indirect.gather @!p0 [hbm4b:s7+s0], $0x1, s18, s0, $0xb8;
	[tilespmem:$0x9000] =	vst v63  }
0x91: {  	s1 =	simm.s32 @!p0 $0x3800  }
0x92: {  	[tilespmem:s1], [sflag:$0x1] =	stream.indirect.gather @!p0 [hbm4b:s2+s0], $0x1, s18, s0, $0xb8;
	[tilespmem:$0x9000] =	vst v63  }
0x93: {  	_ =	swait.ge [sflag:s23], $0x7D0  }
0x94: {  	[sflag:s23] =	ssyncset.done $0x0  }
0x95: {  	[sflag:s23] =	ssyncadd.s32 $0xFFFFF830  }
0x96: {  	_ =	swait.ge [sflag:s23], $0x7D0  }
0x97: {  	[sflag:s23] =	ssyncset.done $0x0  }
0x98: {  	[sflag:s23] =	ssyncadd.s32 $0xFFFFF830  }
0x99: {  	_ =	swait.ge [sflag:s23], $0x7D0  }
0x9a: {  	[sflag:s23] =	ssyncset.done $0x0  }
0x9b: {  	[sflag:s23] =	ssyncadd.s32 $0xFFFFF830  }
0x9c: {  	_ =	swait.ge [sflag:s23], $0x7D0  }
0x9d: {  	[sflag:s23] =	ssyncset.done $0x0  }
0x9e: {  	[sflag:s23] =	ssyncadd.s32 $0xFFFFF830  }
0x9f: {  	_ =	swait.ge [sflag:s23], $0x7D0  }
0xa0: {  	[sflag:s23] =	ssyncset.done $0x0  }
0xa1: {  	[sflag:s23] =	ssyncadd.s32 $0xFFFFF830  }
0xa2: {  	_ =	swait.ge [sflag:s23], $0x7D0  }
0xa3: {  	p0 =	slt.u32 s31, $0x2;
	[sflag:s23] =	ssyncset.done $0x0  }
0xa4: {  	s0 =	simm.s32 @!p0 $0x4;
	[sflag:s23] =	ssyncadd.s32 $0xFFFFF830  }
0xa5: {  	_ =	swait.ge @!p0 [sflag:s0], $0x7D0  }
0xa6: {  	[sflag:s0] =	ssyncset.done @!p0 $0x0  }
0xa7: {  	[sflag:s0] =	ssyncadd.s32 @!p0 $0xFFFFF830;
	s0 =	simm.s32 $0x0  }
0xa8: {  	v2 =	vld [tilespmem:s0+$0x5800]  }
0xa9: {  	v3 =	vld [tilespmem:s0+$0x7000]  }
0xaa: {  	v4 =	vld [tilespmem:s0+$0x6000]  }
0xab: {  	v5 =	vld [tilespmem:s0+$0x7800]  }
0xac: {  	v6 =	vld [tilespmem:s0+$0x6800]  }
0xad: {  	s1 =	simm.s32 $0x10;
	v7 =	vld [tilespmem:s0+$0x8000]  }
0xae: {  	v0 =	vld [tilespmem:s1+$0x5800]  }
0xaf: {  	v1 =	vld [tilespmem:s1+$0x7000]  }
0xb0: {  	v8 =	vsub.f32 v2, v3;
	v2 =	vld [tilespmem:s1+$0x6000];
	v9 =	vsub.f32 v4, v5  }
0xb1: {  	v4 =	vld [tilespmem:s1+$0x7800]  }
0xb2: {  	s17 =	simm.s32 $0x80;
	v3 =	vld [tilespmem:s1+$0x6800];
	v5 =	vsub.f32 v6, v7;
	v6 =	vmul.f32 v8, v8;
	v7 =	vmul.f32 v9, v9  }
.LBB2_7:
0xb3: {  	s18 =	sshra.s32 s17, $0x2;
	v8 =	vld [tilespmem:s1+$0x8000];
	v9 =	vmov v0;
	p0 =	sne.s32 s17, $0x1F00  }
.Ltmp7:
0xb4: {  	v0 =	vld [tilespmem:s18+$0x5800];
	v6 =	vadd.f32 v7, v6;
	v5 =	vmul.f32 v5, v5;
	(pc) =	sbr.rel @p0 .LBB2_7-.Ltmp7, $4  }
0xb5: {  	v7 =	vsub.f32 v9, v1;
	v1 =	vld [tilespmem:s18+$0x7000]  }
0xb6: {  	s17 =	sadd.s32 $0x40, s17;
	v9 =	vsub.f32 v2, v4;
	v2 =	vld [tilespmem:s18+$0x6000];
	v10 =	vadd.f32 v5, v6  }
0xb7: {  	v4 =	vld [tilespmem:s18+$0x7800]  }
0xb8: {  	v6 =	vmul.f32 v7, v7;
	v5 =	vsub.f32 v3, v8;
	v3 =	vld [tilespmem:s18+$0x6800];
	v7 =	vmul.f32 v9, v9;
	[tilespmem:s0+$0x8800] =	vst v10;
	s0 =	smov.u32 s1;
	s1 =	smov.u32 s18  }
0xb9: {  	v8 =	vld [tilespmem:s1+$0x8000];
	_ =	sdelay $0x2  }
0xba: {  	v0 =	vsub.f32 v0, v1;
	v58 =	vsub.f32 v2, v4;
	_ =	sdelay $0x1  }
0xbb: {  	v0 =	vmul.f32 v0, v0;
	v59 =	vsub.f32 v3, v8;
	v1 =	vmul.f32 v58, v58  }
0xbc: {  	v60 =	vadd.f32 v7, v6;
	v61 =	vmul.f32 v5, v5  }
0xbd: {  	s17 =	smul.u32 $0x7D0, s31;
	v0 =	vadd.f32 v1, v0;
	v62 =	vmul.f32 v59, v59  }
.Ltmp8:
0xbe: {  	v63 =	vadd.f32 v61, v60;
	(pc) =	sbr.rel .LBB2_9-.Ltmp8, $4  }
0xbf: {  	s17 =	sadd.s32 s6, s17;
	v0 =	vadd.f32 v62, v0  }
0xc0: {  	s20 =	sshrl.u32 s17, $0x3;
	[tilespmem:s0+$0x8800] =	vst v63  }
0xc1: {  	s0 =	sadd.s32 s9, s20;
	[tilespmem:s1+$0x8800] =	vst v0  }
0xc2: {  	[hbm4b:s0+s4] =	stream.linear.scatter [tilespmem:s24], [sflag:$0x4], $0x7D0, $0x38;
	[tilespmem:$0x9000] =	vst v63  }
.LBB2_11:
0xc3: {  	_ =	sfence.sel $0x180000  }
0xc4: {  	[bflag:$0x0] =	sbarrier.arrive $0xFFFF  }
0xc5: {  	_ =	strace $0x90000047  }
0xc6: {  	s0 =	stileid.u32;
	[bflag:$0x2] =	sbarrier.arrive $0xFFFF  }
0xc7: {  	p0 =	sne.s32 s0, $0x0;
	s0 =	rddreg [dreg:$0x2]  }
0xc8: {  	s0 =	sadd.s32 @!p0 $0x100000, s0  }
0xc9: {  	[sflag:s0] =	ssyncadd.tile.s32 @!p0 $0x1;
	_ =	shalt  }
.Lfunc_end2:
_tile_overlayer_lowered:
.L_overlay_start_2:
0xca: {  	(tag) =	ssettag $0x2  }
0xcb: {  	s0 =	rddreg [dreg:$0x0];
	s2 =	stileid.u32  }
0xcc: {  	s1 =	rddreg [dreg:$0x1];
	p0 =	sne.s32 s2, $0x0  }
0xcd: {  	s3 =	rddreg [dreg:$0x2];
	[bflag:$0x3] =	sbarrier.arrive $0xFFFF;
	s2 =	simm.s32 @!p0 $0x1C05  }
0xce: {  	[timem:s3], [sflag:s2] =	dma.local @!p0 [hbm:s0], s1  }
0xcf: {  	s0 =	simm.s32 @!p0 $0x5  }
0xd0: {  	_ =	swait.ge @!p0 [sflag:s0], s1  }
0xd1: {  	s1 =	ssub.s32 @!p0 $0x0, s1;
	[sflag:s0] =	ssyncset.done @!p0 $0x0  }
0xd2: {  	[sflag:s0] =	ssyncadd.s32 @!p0 s1  }
0xd3: {  	[bflag:$0x3] =	sbarrier.arrive $0xFFFF  }
0xd4: {  	_ =	shalt  }

</sc_bundles>
